<compile_context>
chip_gen: v7x
topology: tpu7x:2x2x1
jax: 0.10.2.dev20260603
libtpu: 0.0.44.dev20260713+nightly
codegen_flags: <defaults>
</compile_context>

<pallas_src>
import functools

import jax
import jax.numpy as jnp
from jax import lax
from jax.experimental import pallas as pl
from jax.experimental.pallas import tpu as pltpu
from jax.experimental.pallas import tpu_sc as plsc

_NC = 2
_NS = 16
_NW = _NC * _NS

_CHUNK = 128
_NBUF = 8
_LAG = 4


@jax.jit
def _embedding_sc(idx_flat, weight):
    n = idx_flat.shape[0]
    _, d = weight.shape
    per_w = n // _NW
    n_chunks = per_w // _CHUNK
    assert n == per_w * _NW and per_w == n_chunks * _CHUNK
    assert n_chunks % _NBUF == 0 and n_chunks >= 2 * _NBUF

    mesh = plsc.VectorSubcoreMesh(core_axis_name="c", subcore_axis_name="s")

    @functools.partial(
        pl.kernel,
        mesh=mesh,
        compiler_params=pltpu.CompilerParams(use_tc_tiling_on_sc=False),
        out_type=jax.ShapeDtypeStruct((n, d), jnp.float32),
        scratch_types=[
            pltpu.VMEM((per_w,), jnp.int32),
            pltpu.VMEM((_NBUF, _CHUNK, d), jnp.float32),
            pltpu.SemaphoreType.DMA,
            pltpu.SemaphoreType.DMA,
        ],
    )
    def emb(idx_hbm, table_hbm, out_hbm, idx_v, rows_v, gsem, osem):
        wid = lax.axis_index("s") * _NC + lax.axis_index("c")
        base = wid * per_w
        pltpu.sync_copy(idx_hbm.at[pl.ds(base, per_w)], idx_v)

        def fire_gather(c, buf):
            pltpu.async_copy(
                table_hbm.at[idx_v.at[pl.ds(c * _CHUNK, _CHUNK)]],
                rows_v.at[buf],
                gsem,
            )

        def wait_gather(buf):
            pltpu.make_async_copy(
                table_hbm.at[pl.ds(0, _CHUNK)], rows_v.at[buf], gsem
            ).wait()

        def fire_write(c, buf):
            pltpu.async_copy(
                rows_v.at[buf], out_hbm.at[pl.ds(base + c * _CHUNK, _CHUNK)], osem
            )

        def wait_write(buf):
            pltpu.make_async_copy(
                table_hbm.at[pl.ds(0, _CHUNK)], rows_v.at[buf], osem
            ).wait()

        for b in range(_LAG):
            fire_gather(b, b)
        for c in range(_LAG):
            wait_gather(c % _NBUF)
            fire_write(c, c % _NBUF)
            fire_gather(c + _LAG, (c + _LAG) % _NBUF)

        def steady(c0, _):
            for b in range(_NBUF):
                bw = (_LAG + b) % _NBUF
                wait_gather(bw)
                fire_write(c0 + b, bw)
                wait_write((bw + _LAG) % _NBUF)
                fire_gather(c0 + b + _LAG, (bw + _LAG) % _NBUF)
            return ()

        lax.fori_loop(
            0, (n_chunks - 2 * _LAG) // _NBUF,
            lambda i, c: steady(_LAG + i * _NBUF, c), (),
        )

        for b in range(_LAG):
            c = n_chunks - _LAG + b
            bw = c % _NBUF
            wait_gather(bw)
            fire_write(c, bw)
            wait_write((bw + _LAG) % _NBUF)
        for b in range(_LAG):
            bw = (n_chunks - _LAG + b) % _NBUF
            wait_write(bw)

    return emb(idx_flat, weight)


def kernel(x, weight):
    b, hist = x.shape
    _, d = weight.shape
    out = _embedding_sc(x.reshape(b * hist), weight)
    return out.reshape(b, hist, d)

# --- scband reference (transcript-rebuilt; emitter-appended) ---
"""Pipeline reference for scband-stabilized-embedding-44367012167833 (READ-ONLY COPY).

The authoritative reference and input builder live on the scoring server;
editing this copy changes nothing except your own understanding.
"""

import jax, jax.numpy as jnp
import numpy as np
import math

VOCAB = 1000000
EMBED = 64
BATCH = 16384
HIST = 20


def setup_inputs(seed: int = 0) -> dict:
    key = jax.random.key(seed)
    k1, k2 = jax.random.split(key)
    x = jax.random.randint(k1, (BATCH, HIST), 0, VOCAB, dtype=jnp.int32)
    std = 0.02 / math.sqrt(EMBED)
    weight = jax.random.normal(k2, (VOCAB, EMBED), dtype=jnp.float32) * std
    return {"x": x, "weight": weight}


def reference(x, weight):
    # StabilizedEmbedding.forward -> F.embedding(x, weight)
    return jnp.take(weight, x, axis=0)

if __name__ == "__main__":
    import jax
    _d = setup_inputs()
    print(jax.jit(kernel)(*tuple(_d.values())))

</pallas_src>

<mosaic_0001>
#map = affine_map<(d0, d1) -> (0)>
#map1 = affine_map<(d0, d1) -> (0, 0)>
module attributes {stable_mosaic.version = 14 : i64} {
  func.func @emb(%arg0: i32, %arg1: i32, %arg2: memref<327680xi32, #tpu.memory_space<hbm>>, %arg3: memref<1000000x64xf32, #tpu.memory_space<hbm>>, %arg4: memref<327680x64xf32, #tpu.memory_space<hbm>>, %arg5: memref<10240xi32, #tpu.memory_space<vmem>>, %arg6: memref<8x128x64xf32, #tpu.memory_space<vmem>>, %arg7: memref<!tpu.dma_semaphore, #tpu.memory_space<semaphore_mem>>, %arg8: memref<!tpu.dma_semaphore, #tpu.memory_space<semaphore_mem>>) attributes {dimension_semantics = [#tpu.dimension_semantics<core_parallel>, #tpu.dimension_semantics<subcore_parallel>], iteration_bounds = array<i64: 2, 16>, scalar_prefetch = 0 : i64, scratch_operands = 4 : i64, tpu.core_type = #tpu.core_type<sc_vector_subcore>, window_params = [{transform_indices = #map}, {transform_indices = #map1}, {transform_indices = #map1}]} {
    %mul3A = arith.constant 2 : i32
    %mul3A_0 = arith.muli %arg1, %mul3A : i32
    %add3A = arith.addi %mul3A_0, %arg0 : i32
    %mul3A_1 = arith.constant 10240 : i32
    %mul3A_2 = arith.muli %add3A, %mul3A_1 : i32
    "tpu.region"() ({
      %run_scoped3A = tpu.sem_alloc : memref<!tpu.dma_semaphore, #tpu.memory_space<semaphore_mem>>
      %dma_start3A_445 = tpu.memref_slice %arg2[%mul3A_2] : memref<327680xi32, #tpu.memory_space<hbm>> -> memref<10240xi32, #tpu.memory_space<hbm>>
      %dma_start3A_446 = tpu.memref_slice %arg2[%mul3A_2] : memref<327680xi32, #tpu.memory_space<hbm>> -> memref<10240xi32, #tpu.memory_space<hbm>>
      tpu.enqueue_dma source(%dma_start3A_446 : memref<10240xi32, #tpu.memory_space<hbm>>) target(%arg5 : memref<10240xi32, #tpu.memory_space<vmem>>) target_semaphore(%run_scoped3A : memref<!tpu.dma_semaphore, #tpu.memory_space<semaphore_mem>>)
      %dma_wait3A_447 = tpu.memref_slice %arg2[%mul3A_2] : memref<327680xi32, #tpu.memory_space<hbm>> -> memref<10240xi32, #tpu.memory_space<hbm>>
      %dma_wait3A_448 = tpu.memref_slice %arg2[%mul3A_2] : memref<327680xi32, #tpu.memory_space<hbm>> -> memref<10240xi32, #tpu.memory_space<hbm>>
      tpu.wait_dma2 semaphore(%run_scoped3A : memref<!tpu.dma_semaphore, #tpu.memory_space<semaphore_mem>>) src(%dma_wait3A_448 : memref<10240xi32, #tpu.memory_space<hbm>>) dst(%arg5 : memref<10240xi32, #tpu.memory_space<vmem>>)
      tpu.yield
    }) : () -> ()
    %dma_start3A = arith.constant 0 : i32
    %dma_start3A_3 = arith.constant 0 : i32
    %dma_start3A_4 = arith.constant 0 : i32
    %dma_start3A_5 = tpu.memref_slice %arg6[%dma_start3A, %dma_start3A_3, %dma_start3A_4] : memref<8x128x64xf32, #tpu.memory_space<vmem>> -> memref<1x128x64xf32, #tpu.memory_space<vmem>>
    %dma_start3A_6 = tpu.memref_squeeze %dma_start3A_5 : memref<1x128x64xf32, #tpu.memory_space<vmem>> -> memref<128x64xf32, #tpu.memory_space<vmem>>
    %dma_start3A_7 = arith.constant 0 : i32
    %dma_start3A_8 = tpu.memref_slice %arg5[%dma_start3A_7] : memref<10240xi32, #tpu.memory_space<vmem>> -> memref<128xi32, #tpu.memory_space<vmem>>
    %dma_start3A_9 = arith.constant 0 : i32
    %dma_start3A_10 = arith.constant 0 : i32
    %dma_start3A_11 = tpu.memref_slice %arg3[%dma_start3A_9, %dma_start3A_10] : memref<1000000x64xf32, #tpu.memory_space<hbm>> -> memref<1000000x64xf32, #tpu.memory_space<hbm>>
    tpu.enqueue_indirect_dma source(%dma_start3A_11 : memref<1000000x64xf32, #tpu.memory_space<hbm>>) target(%dma_start3A_6 : memref<128x64xf32, #tpu.memory_space<vmem>>) offsets(%dma_start3A_8 : memref<128xi32, #tpu.memory_space<vmem>>) semaphore(%arg7 : memref<!tpu.dma_semaphore, #tpu.memory_space<semaphore_mem>>)
    %dma_start3A_12 = arith.constant 1 : i32
    %dma_start3A_13 = arith.constant 0 : i32
    %dma_start3A_14 = arith.constant 0 : i32
    %dma_start3A_15 = tpu.memref_slice %arg6[%dma_start3A_12, %dma_start3A_13, %dma_start3A_14] : memref<8x128x64xf32, #tpu.memory_space<vmem>> -> memref<1x128x64xf32, #tpu.memory_space<vmem>>
    %dma_start3A_16 = tpu.memref_squeeze %dma_start3A_15 : memref<1x128x64xf32, #tpu.memory_space<vmem>> -> memref<128x64xf32, #tpu.memory_space<vmem>>
    %dma_start3A_17 = arith.constant 128 : i32
    %dma_start3A_18 = tpu.memref_slice %arg5[%dma_start3A_17] : memref<10240xi32, #tpu.memory_space<vmem>> -> memref<128xi32, #tpu.memory_space<vmem>>
    %dma_start3A_19 = arith.constant 0 : i32
    %dma_start3A_20 = arith.constant 0 : i32
    %dma_start3A_21 = tpu.memref_slice %arg3[%dma_start3A_19, %dma_start3A_20] : memref<1000000x64xf32, #tpu.memory_space<hbm>> -> memref<1000000x64xf32, #tpu.memory_space<hbm>>
    tpu.enqueue_indirect_dma source(%dma_start3A_21 : memref<1000000x64xf32, #tpu.memory_space<hbm>>) target(%dma_start3A_16 : memref<128x64xf32, #tpu.memory_space<vmem>>) offsets(%dma_start3A_18 : memref<128xi32, #tpu.memory_space<vmem>>) semaphore(%arg7 : memref<!tpu.dma_semaphore, #tpu.memory_space<semaphore_mem>>)
    %dma_start3A_22 = arith.constant 2 : i32
    %dma_start3A_23 = arith.constant 0 : i32
    %dma_start3A_24 = arith.constant 0 : i32
    %dma_start3A_25 = tpu.memref_slice %arg6[%dma_start3A_22, %dma_start3A_23, %dma_start3A_24] : memref<8x128x64xf32, #tpu.memory_space<vmem>> -> memref<1x128x64xf32, #tpu.memory_space<vmem>>
    %dma_start3A_26 = tpu.memref_squeeze %dma_start3A_25 : memref<1x128x64xf32, #tpu.memory_space<vmem>> -> memref<128x64xf32, #tpu.memory_space<vmem>>
    %dma_start3A_27 = arith.constant 256 : i32
    %dma_start3A_28 = tpu.memref_slice %arg5[%dma_start3A_27] : memref<10240xi32, #tpu.memory_space<vmem>> -> memref<128xi32, #tpu.memory_space<vmem>>
    %dma_start3A_29 = arith.constant 0 : i32
    %dma_start3A_30 = arith.constant 0 : i32
    %dma_start3A_31 = tpu.memref_slice %arg3[%dma_start3A_29, %dma_start3A_30] : memref<1000000x64xf32, #tpu.memory_space<hbm>> -> memref<1000000x64xf32, #tpu.memory_space<hbm>>
    tpu.enqueue_indirect_dma source(%dma_start3A_31 : memref<1000000x64xf32, #tpu.memory_space<hbm>>) target(%dma_start3A_26 : memref<128x64xf32, #tpu.memory_space<vmem>>) offsets(%dma_start3A_28 : memref<128xi32, #tpu.memory_space<vmem>>) semaphore(%arg7 : memref<!tpu.dma_semaphore, #tpu.memory_space<semaphore_mem>>)
    %dma_start3A_32 = arith.constant 3 : i32
    %dma_start3A_33 = arith.constant 0 : i32
    %dma_start3A_34 = arith.constant 0 : i32
    %dma_start3A_35 = tpu.memref_slice %arg6[%dma_start3A_32, %dma_start3A_33, %dma_start3A_34] : memref<8x128x64xf32, #tpu.memory_space<vmem>> -> memref<1x128x64xf32, #tpu.memory_space<vmem>>
    %dma_start3A_36 = tpu.memref_squeeze %dma_start3A_35 : memref<1x128x64xf32, #tpu.memory_space<vmem>> -> memref<128x64xf32, #tpu.memory_space<vmem>>
    %dma_start3A_37 = arith.constant 384 : i32
    %dma_start3A_38 = tpu.memref_slice %arg5[%dma_start3A_37] : memref<10240xi32, #tpu.memory_space<vmem>> -> memref<128xi32, #tpu.memory_space<vmem>>
    %dma_start3A_39 = arith.constant 0 : i32
    %dma_start3A_40 = arith.constant 0 : i32
    %dma_start3A_41 = tpu.memref_slice %arg3[%dma_start3A_39, %dma_start3A_40] : memref<1000000x64xf32, #tpu.memory_space<hbm>> -> memref<1000000x64xf32, #tpu.memory_space<hbm>>
    tpu.enqueue_indirect_dma source(%dma_start3A_41 : memref<1000000x64xf32, #tpu.memory_space<hbm>>) target(%dma_start3A_36 : memref<128x64xf32, #tpu.memory_space<vmem>>) offsets(%dma_start3A_38 : memref<128xi32, #tpu.memory_space<vmem>>) semaphore(%arg7 : memref<!tpu.dma_semaphore, #tpu.memory_space<semaphore_mem>>)
    %dma_wait3A = arith.constant 0 : i32
    %dma_wait3A_42 = arith.constant 0 : i32
    %dma_wait3A_43 = arith.constant 0 : i32
    %dma_wait3A_44 = tpu.memref_slice %arg6[%dma_wait3A, %dma_wait3A_42, %dma_wait3A_43] : memref<8x128x64xf32, #tpu.memory_space<vmem>> -> memref<1x128x64xf32, #tpu.memory_space<vmem>>
    %dma_wait3A_45 = tpu.memref_squeeze %dma_wait3A_44 : memref<1x128x64xf32, #tpu.memory_space<vmem>> -> memref<128x64xf32, #tpu.memory_space<vmem>>
    %dma_wait3A_46 = arith.constant 0 : i32
    %dma_wait3A_47 = arith.constant 0 : i32
    %dma_wait3A_48 = tpu.memref_slice %arg3[%dma_wait3A_46, %dma_wait3A_47] : memref<1000000x64xf32, #tpu.memory_space<hbm>> -> memref<128x64xf32, #tpu.memory_space<hbm>>
    %dma_wait3A_49 = arith.constant 0 : i32
    %dma_wait3A_50 = arith.constant 0 : i32
    %dma_wait3A_51 = tpu.memref_slice %arg6[%dma_wait3A, %dma_wait3A_49, %dma_wait3A_50] : memref<8x128x64xf32, #tpu.memory_space<vmem>> -> memref<1x128x64xf32, #tpu.memory_space<vmem>>
    %dma_wait3A_52 = tpu.memref_squeeze %dma_wait3A_51 : memref<1x128x64xf32, #tpu.memory_space<vmem>> -> memref<128x64xf32, #tpu.memory_space<vmem>>
    %dma_wait3A_53 = arith.constant 0 : i32
    %dma_wait3A_54 = arith.constant 0 : i32
    %dma_wait3A_55 = tpu.memref_slice %arg3[%dma_wait3A_53, %dma_wait3A_54] : memref<1000000x64xf32, #tpu.memory_space<hbm>> -> memref<128x64xf32, #tpu.memory_space<hbm>>
    tpu.wait_dma2 semaphore(%arg7 : memref<!tpu.dma_semaphore, #tpu.memory_space<semaphore_mem>>) src(%dma_wait3A_55 : memref<128x64xf32, #tpu.memory_space<hbm>>) dst(%dma_wait3A_52 : memref<128x64xf32, #tpu.memory_space<vmem>>)
    %add3A_56 = arith.constant 0 : i32
    %add3A_57 = arith.addi %mul3A_2, %add3A_56 : i32
    %dma_start3A_58 = arith.constant 0 : i32
    %dma_start3A_59 = arith.constant 0 : i32
    %dma_start3A_60 = arith.constant 0 : i32
    %dma_start3A_61 = tpu.memref_slice %arg6[%dma_start3A_58, %dma_start3A_59, %dma_start3A_60] : memref<8x128x64xf32, #tpu.memory_space<vmem>> -> memref<1x128x64xf32, #tpu.memory_space<vmem>>
    %dma_start3A_62 = tpu.memref_squeeze %dma_start3A_61 : memref<1x128x64xf32, #tpu.memory_space<vmem>> -> memref<128x64xf32, #tpu.memory_space<vmem>>
    %dma_start3A_63 = arith.constant 0 : i32
    %dma_start3A_64 = tpu.memref_slice %arg4[%add3A_57, %dma_start3A_63] : memref<327680x64xf32, #tpu.memory_space<hbm>> -> memref<128x64xf32, #tpu.memory_space<hbm>>
    %dma_start3A_65 = arith.constant 0 : i32
    %dma_start3A_66 = tpu.memref_slice %arg4[%add3A_57, %dma_start3A_65] : memref<327680x64xf32, #tpu.memory_space<hbm>> -> memref<128x64xf32, #tpu.memory_space<hbm>>
    %dma_start3A_67 = arith.constant 0 : i32
    %dma_start3A_68 = arith.constant 0 : i32
    %dma_start3A_69 = tpu.memref_slice %arg6[%dma_start3A_58, %dma_start3A_67, %dma_start3A_68] : memref<8x128x64xf32, #tpu.memory_space<vmem>> -> memref<1x128x64xf32, #tpu.memory_space<vmem>>
    %dma_start3A_70 = tpu.memref_squeeze %dma_start3A_69 : memref<1x128x64xf32, #tpu.memory_space<vmem>> -> memref<128x64xf32, #tpu.memory_space<vmem>>
    tpu.enqueue_dma source(%dma_start3A_70 : memref<128x64xf32, #tpu.memory_space<vmem>>) target(%dma_start3A_66 : memref<128x64xf32, #tpu.memory_space<hbm>>) target_semaphore(%arg8 : memref<!tpu.dma_semaphore, #tpu.memory_space<semaphore_mem>>)
    %dma_start3A_71 = arith.constant 4 : i32
    %dma_start3A_72 = arith.constant 0 : i32
    %dma_start3A_73 = arith.constant 0 : i32
    %dma_start3A_74 = tpu.memref_slice %arg6[%dma_start3A_71, %dma_start3A_72, %dma_start3A_73] : memref<8x128x64xf32, #tpu.memory_space<vmem>> -> memref<1x128x64xf32, #tpu.memory_space<vmem>>
    %dma_start3A_75 = tpu.memref_squeeze %dma_start3A_74 : memref<1x128x64xf32, #tpu.memory_space<vmem>> -> memref<128x64xf32, #tpu.memory_space<vmem>>
    %dma_start3A_76 = arith.constant 512 : i32
    %dma_start3A_77 = tpu.memref_slice %arg5[%dma_start3A_76] : memref<10240xi32, #tpu.memory_space<vmem>> -> memref<128xi32, #tpu.memory_space<vmem>>
    %dma_start3A_78 = arith.constant 0 : i32
    %dma_start3A_79 = arith.constant 0 : i32
    %dma_start3A_80 = tpu.memref_slice %arg3[%dma_start3A_78, %dma_start3A_79] : memref<1000000x64xf32, #tpu.memory_space<hbm>> -> memref<1000000x64xf32, #tpu.memory_space<hbm>>
    tpu.enqueue_indirect_dma source(%dma_start3A_80 : memref<1000000x64xf32, #tpu.memory_space<hbm>>) target(%dma_start3A_75 : memref<128x64xf32, #tpu.memory_space<vmem>>) offsets(%dma_start3A_77 : memref<128xi32, #tpu.memory_space<vmem>>) semaphore(%arg7 : memref<!tpu.dma_semaphore, #tpu.memory_space<semaphore_mem>>)
    %dma_wait3A_81 = arith.constant 1 : i32
    %dma_wait3A_82 = arith.constant 0 : i32
    %dma_wait3A_83 = arith.constant 0 : i32
    %dma_wait3A_84 = tpu.memref_slice %arg6[%dma_wait3A_81, %dma_wait3A_82, %dma_wait3A_83] : memref<8x128x64xf32, #tpu.memory_space<vmem>> -> memref<1x128x64xf32, #tpu.memory_space<vmem>>
    %dma_wait3A_85 = tpu.memref_squeeze %dma_wait3A_84 : memref<1x128x64xf32, #tpu.memory_space<vmem>> -> memref<128x64xf32, #tpu.memory_space<vmem>>
    %dma_wait3A_86 = arith.constant 0 : i32
    %dma_wait3A_87 = arith.constant 0 : i32
    %dma_wait3A_88 = tpu.memref_slice %arg3[%dma_wait3A_86, %dma_wait3A_87] : memref<1000000x64xf32, #tpu.memory_space<hbm>> -> memref<128x64xf32, #tpu.memory_space<hbm>>
    %dma_wait3A_89 = arith.constant 0 : i32
    %dma_wait3A_90 = arith.constant 0 : i32
    %dma_wait3A_91 = tpu.memref_slice %arg6[%dma_wait3A_81, %dma_wait3A_89, %dma_wait3A_90] : memref<8x128x64xf32, #tpu.memory_space<vmem>> -> memref<1x128x64xf32, #tpu.memory_space<vmem>>
    %dma_wait3A_92 = tpu.memref_squeeze %dma_wait3A_91 : memref<1x128x64xf32, #tpu.memory_space<vmem>> -> memref<128x64xf32, #tpu.memory_space<vmem>>
    %dma_wait3A_93 = arith.constant 0 : i32
    %dma_wait3A_94 = arith.constant 0 : i32
    %dma_wait3A_95 = tpu.memref_slice %arg3[%dma_wait3A_93, %dma_wait3A_94] : memref<1000000x64xf32, #tpu.memory_space<hbm>> -> memref<128x64xf32, #tpu.memory_space<hbm>>
    tpu.wait_dma2 semaphore(%arg7 : memref<!tpu.dma_semaphore, #tpu.memory_space<semaphore_mem>>) src(%dma_wait3A_95 : memref<128x64xf32, #tpu.memory_space<hbm>>) dst(%dma_wait3A_92 : memref<128x64xf32, #tpu.memory_space<vmem>>)
    %add3A_96 = arith.constant 128 : i32
    %add3A_97 = arith.addi %mul3A_2, %add3A_96 : i32
    %dma_start3A_98 = arith.constant 1 : i32
    %dma_start3A_99 = arith.constant 0 : i32
    %dma_start3A_100 = arith.constant 0 : i32
    %dma_start3A_101 = tpu.memref_slice %arg6[%dma_start3A_98, %dma_start3A_99, %dma_start3A_100] : memref<8x128x64xf32, #tpu.memory_space<vmem>> -> memref<1x128x64xf32, #tpu.memory_space<vmem>>
    %dma_start3A_102 = tpu.memref_squeeze %dma_start3A_101 : memref<1x128x64xf32, #tpu.memory_space<vmem>> -> memref<128x64xf32, #tpu.memory_space<vmem>>
    %dma_start3A_103 = arith.constant 0 : i32
    %dma_start3A_104 = tpu.memref_slice %arg4[%add3A_97, %dma_start3A_103] : memref<327680x64xf32, #tpu.memory_space<hbm>> -> memref<128x64xf32, #tpu.memory_space<hbm>>
    %dma_start3A_105 = arith.constant 0 : i32
    %dma_start3A_106 = tpu.memref_slice %arg4[%add3A_97, %dma_start3A_105] : memref<327680x64xf32, #tpu.memory_space<hbm>> -> memref<128x64xf32, #tpu.memory_space<hbm>>
    %dma_start3A_107 = arith.constant 0 : i32
    %dma_start3A_108 = arith.constant 0 : i32
    %dma_start3A_109 = tpu.memref_slice %arg6[%dma_start3A_98, %dma_start3A_107, %dma_start3A_108] : memref<8x128x64xf32, #tpu.memory_space<vmem>> -> memref<1x128x64xf32, #tpu.memory_space<vmem>>
    %dma_start3A_110 = tpu.memref_squeeze %dma_start3A_109 : memref<1x128x64xf32, #tpu.memory_space<vmem>> -> memref<128x64xf32, #tpu.memory_space<vmem>>
    tpu.enqueue_dma source(%dma_start3A_110 : memref<128x64xf32, #tpu.memory_space<vmem>>) target(%dma_start3A_106 : memref<128x64xf32, #tpu.memory_space<hbm>>) target_semaphore(%arg8 : memref<!tpu.dma_semaphore, #tpu.memory_space<semaphore_mem>>)
    %dma_start3A_111 = arith.constant 5 : i32
    %dma_start3A_112 = arith.constant 0 : i32
    %dma_start3A_113 = arith.constant 0 : i32
    %dma_start3A_114 = tpu.memref_slice %arg6[%dma_start3A_111, %dma_start3A_112, %dma_start3A_113] : memref<8x128x64xf32, #tpu.memory_space<vmem>> -> memref<1x128x64xf32, #tpu.memory_space<vmem>>
    %dma_start3A_115 = tpu.memref_squeeze %dma_start3A_114 : memref<1x128x64xf32, #tpu.memory_space<vmem>> -> memref<128x64xf32, #tpu.memory_space<vmem>>
    %dma_start3A_116 = arith.constant 640 : i32
    %dma_start3A_117 = tpu.memref_slice %arg5[%dma_start3A_116] : memref<10240xi32, #tpu.memory_space<vmem>> -> memref<128xi32, #tpu.memory_space<vmem>>
    %dma_start3A_118 = arith.constant 0 : i32
    %dma_start3A_119 = arith.constant 0 : i32
    %dma_start3A_120 = tpu.memref_slice %arg3[%dma_start3A_118, %dma_start3A_119] : memref<1000000x64xf32, #tpu.memory_space<hbm>> -> memref<1000000x64xf32, #tpu.memory_space<hbm>>
    tpu.enqueue_indirect_dma source(%dma_start3A_120 : memref<1000000x64xf32, #tpu.memory_space<hbm>>) target(%dma_start3A_115 : memref<128x64xf32, #tpu.memory_space<vmem>>) offsets(%dma_start3A_117 : memref<128xi32, #tpu.memory_space<vmem>>) semaphore(%arg7 : memref<!tpu.dma_semaphore, #tpu.memory_space<semaphore_mem>>)
    %dma_wait3A_121 = arith.constant 2 : i32
    %dma_wait3A_122 = arith.constant 0 : i32
    %dma_wait3A_123 = arith.constant 0 : i32
    %dma_wait3A_124 = tpu.memref_slice %arg6[%dma_wait3A_121, %dma_wait3A_122, %dma_wait3A_123] : memref<8x128x64xf32, #tpu.memory_space<vmem>> -> memref<1x128x64xf32, #tpu.memory_space<vmem>>
    %dma_wait3A_125 = tpu.memref_squeeze %dma_wait3A_124 : memref<1x128x64xf32, #tpu.memory_space<vmem>> -> memref<128x64xf32, #tpu.memory_space<vmem>>
    %dma_wait3A_126 = arith.constant 0 : i32
    %dma_wait3A_127 = arith.constant 0 : i32
    %dma_wait3A_128 = tpu.memref_slice %arg3[%dma_wait3A_126, %dma_wait3A_127] : memref<1000000x64xf32, #tpu.memory_space<hbm>> -> memref<128x64xf32, #tpu.memory_space<hbm>>
    %dma_wait3A_129 = arith.constant 0 : i32
    %dma_wait3A_130 = arith.constant 0 : i32
    %dma_wait3A_131 = tpu.memref_slice %arg6[%dma_wait3A_121, %dma_wait3A_129, %dma_wait3A_130] : memref<8x128x64xf32, #tpu.memory_space<vmem>> -> memref<1x128x64xf32, #tpu.memory_space<vmem>>
    %dma_wait3A_132 = tpu.memref_squeeze %dma_wait3A_131 : memref<1x128x64xf32, #tpu.memory_space<vmem>> -> memref<128x64xf32, #tpu.memory_space<vmem>>
    %dma_wait3A_133 = arith.constant 0 : i32
    %dma_wait3A_134 = arith.constant 0 : i32
    %dma_wait3A_135 = tpu.memref_slice %arg3[%dma_wait3A_133, %dma_wait3A_134] : memref<1000000x64xf32, #tpu.memory_space<hbm>> -> memref<128x64xf32, #tpu.memory_space<hbm>>
    tpu.wait_dma2 semaphore(%arg7 : memref<!tpu.dma_semaphore, #tpu.memory_space<semaphore_mem>>) src(%dma_wait3A_135 : memref<128x64xf32, #tpu.memory_space<hbm>>) dst(%dma_wait3A_132 : memref<128x64xf32, #tpu.memory_space<vmem>>)
    %add3A_136 = arith.constant 256 : i32
    %add3A_137 = arith.addi %mul3A_2, %add3A_136 : i32
    %dma_start3A_138 = arith.constant 2 : i32
    %dma_start3A_139 = arith.constant 0 : i32
    %dma_start3A_140 = arith.constant 0 : i32
    %dma_start3A_141 = tpu.memref_slice %arg6[%dma_start3A_138, %dma_start3A_139, %dma_start3A_140] : memref<8x128x64xf32, #tpu.memory_space<vmem>> -> memref<1x128x64xf32, #tpu.memory_space<vmem>>
    %dma_start3A_142 = tpu.memref_squeeze %dma_start3A_141 : memref<1x128x64xf32, #tpu.memory_space<vmem>> -> memref<128x64xf32, #tpu.memory_space<vmem>>
    %dma_start3A_143 = arith.constant 0 : i32
    %dma_start3A_144 = tpu.memref_slice %arg4[%add3A_137, %dma_start3A_143] : memref<327680x64xf32, #tpu.memory_space<hbm>> -> memref<128x64xf32, #tpu.memory_space<hbm>>
    %dma_start3A_145 = arith.constant 0 : i32
    %dma_start3A_146 = tpu.memref_slice %arg4[%add3A_137, %dma_start3A_145] : memref<327680x64xf32, #tpu.memory_space<hbm>> -> memref<128x64xf32, #tpu.memory_space<hbm>>
    %dma_start3A_147 = arith.constant 0 : i32
    %dma_start3A_148 = arith.constant 0 : i32
    %dma_start3A_149 = tpu.memref_slice %arg6[%dma_start3A_138, %dma_start3A_147, %dma_start3A_148] : memref<8x128x64xf32, #tpu.memory_space<vmem>> -> memref<1x128x64xf32, #tpu.memory_space<vmem>>
    %dma_start3A_150 = tpu.memref_squeeze %dma_start3A_149 : memref<1x128x64xf32, #tpu.memory_space<vmem>> -> memref<128x64xf32, #tpu.memory_space<vmem>>
    tpu.enqueue_dma source(%dma_start3A_150 : memref<128x64xf32, #tpu.memory_space<vmem>>) target(%dma_start3A_146 : memref<128x64xf32, #tpu.memory_space<hbm>>) target_semaphore(%arg8 : memref<!tpu.dma_semaphore, #tpu.memory_space<semaphore_mem>>)
    %dma_start3A_151 = arith.constant 6 : i32
    %dma_start3A_152 = arith.constant 0 : i32
    %dma_start3A_153 = arith.constant 0 : i32
    %dma_start3A_154 = tpu.memref_slice %arg6[%dma_start3A_151, %dma_start3A_152, %dma_start3A_153] : memref<8x128x64xf32, #tpu.memory_space<vmem>> -> memref<1x128x64xf32, #tpu.memory_space<vmem>>
    %dma_start3A_155 = tpu.memref_squeeze %dma_start3A_154 : memref<1x128x64xf32, #tpu.memory_space<vmem>> -> memref<128x64xf32, #tpu.memory_space<vmem>>
    %dma_start3A_156 = arith.constant 768 : i32
    %dma_start3A_157 = tpu.memref_slice %arg5[%dma_start3A_156] : memref<10240xi32, #tpu.memory_space<vmem>> -> memref<128xi32, #tpu.memory_space<vmem>>
    %dma_start3A_158 = arith.constant 0 : i32
    %dma_start3A_159 = arith.constant 0 : i32
    %dma_start3A_160 = tpu.memref_slice %arg3[%dma_start3A_158, %dma_start3A_159] : memref<1000000x64xf32, #tpu.memory_space<hbm>> -> memref<1000000x64xf32, #tpu.memory_space<hbm>>
    tpu.enqueue_indirect_dma source(%dma_start3A_160 : memref<1000000x64xf32, #tpu.memory_space<hbm>>) target(%dma_start3A_155 : memref<128x64xf32, #tpu.memory_space<vmem>>) offsets(%dma_start3A_157 : memref<128xi32, #tpu.memory_space<vmem>>) semaphore(%arg7 : memref<!tpu.dma_semaphore, #tpu.memory_space<semaphore_mem>>)
    %dma_wait3A_161 = arith.constant 3 : i32
    %dma_wait3A_162 = arith.constant 0 : i32
    %dma_wait3A_163 = arith.constant 0 : i32
    %dma_wait3A_164 = tpu.memref_slice %arg6[%dma_wait3A_161, %dma_wait3A_162, %dma_wait3A_163] : memref<8x128x64xf32, #tpu.memory_space<vmem>> -> memref<1x128x64xf32, #tpu.memory_space<vmem>>
    %dma_wait3A_165 = tpu.memref_squeeze %dma_wait3A_164 : memref<1x128x64xf32, #tpu.memory_space<vmem>> -> memref<128x64xf32, #tpu.memory_space<vmem>>
    %dma_wait3A_166 = arith.constant 0 : i32
    %dma_wait3A_167 = arith.constant 0 : i32
    %dma_wait3A_168 = tpu.memref_slice %arg3[%dma_wait3A_166, %dma_wait3A_167] : memref<1000000x64xf32, #tpu.memory_space<hbm>> -> memref<128x64xf32, #tpu.memory_space<hbm>>
    %dma_wait3A_169 = arith.constant 0 : i32
    %dma_wait3A_170 = arith.constant 0 : i32
    %dma_wait3A_171 = tpu.memref_slice %arg6[%dma_wait3A_161, %dma_wait3A_169, %dma_wait3A_170] : memref<8x128x64xf32, #tpu.memory_space<vmem>> -> memref<1x128x64xf32, #tpu.memory_space<vmem>>
    %dma_wait3A_172 = tpu.memref_squeeze %dma_wait3A_171 : memref<1x128x64xf32, #tpu.memory_space<vmem>> -> memref<128x64xf32, #tpu.memory_space<vmem>>
    %dma_wait3A_173 = arith.constant 0 : i32
    %dma_wait3A_174 = arith.constant 0 : i32
    %dma_wait3A_175 = tpu.memref_slice %arg3[%dma_wait3A_173, %dma_wait3A_174] : memref<1000000x64xf32, #tpu.memory_space<hbm>> -> memref<128x64xf32, #tpu.memory_space<hbm>>
    tpu.wait_dma2 semaphore(%arg7 : memref<!tpu.dma_semaphore, #tpu.memory_space<semaphore_mem>>) src(%dma_wait3A_175 : memref<128x64xf32, #tpu.memory_space<hbm>>) dst(%dma_wait3A_172 : memref<128x64xf32, #tpu.memory_space<vmem>>)
    %add3A_176 = arith.constant 384 : i32
    %add3A_177 = arith.addi %mul3A_2, %add3A_176 : i32
    %dma_start3A_178 = arith.constant 3 : i32
    %dma_start3A_179 = arith.constant 0 : i32
    %dma_start3A_180 = arith.constant 0 : i32
    %dma_start3A_181 = tpu.memref_slice %arg6[%dma_start3A_178, %dma_start3A_179, %dma_start3A_180] : memref<8x128x64xf32, #tpu.memory_space<vmem>> -> memref<1x128x64xf32, #tpu.memory_space<vmem>>
    %dma_start3A_182 = tpu.memref_squeeze %dma_start3A_181 : memref<1x128x64xf32, #tpu.memory_space<vmem>> -> memref<128x64xf32, #tpu.memory_space<vmem>>
    %dma_start3A_183 = arith.constant 0 : i32
    %dma_start3A_184 = tpu.memref_slice %arg4[%add3A_177, %dma_start3A_183] : memref<327680x64xf32, #tpu.memory_space<hbm>> -> memref<128x64xf32, #tpu.memory_space<hbm>>
    %dma_start3A_185 = arith.constant 0 : i32
    %dma_start3A_186 = tpu.memref_slice %arg4[%add3A_177, %dma_start3A_185] : memref<327680x64xf32, #tpu.memory_space<hbm>> -> memref<128x64xf32, #tpu.memory_space<hbm>>
    %dma_start3A_187 = arith.constant 0 : i32
    %dma_start3A_188 = arith.constant 0 : i32
    %dma_start3A_189 = tpu.memref_slice %arg6[%dma_start3A_178, %dma_start3A_187, %dma_start3A_188] : memref<8x128x64xf32, #tpu.memory_space<vmem>> -> memref<1x128x64xf32, #tpu.memory_space<vmem>>
    %dma_start3A_190 = tpu.memref_squeeze %dma_start3A_189 : memref<1x128x64xf32, #tpu.memory_space<vmem>> -> memref<128x64xf32, #tpu.memory_space<vmem>>
    tpu.enqueue_dma source(%dma_start3A_190 : memref<128x64xf32, #tpu.memory_space<vmem>>) target(%dma_start3A_186 : memref<128x64xf32, #tpu.memory_space<hbm>>) target_semaphore(%arg8 : memref<!tpu.dma_semaphore, #tpu.memory_space<semaphore_mem>>)
    %dma_start3A_191 = arith.constant 7 : i32
    %dma_start3A_192 = arith.constant 0 : i32
    %dma_start3A_193 = arith.constant 0 : i32
    %dma_start3A_194 = tpu.memref_slice %arg6[%dma_start3A_191, %dma_start3A_192, %dma_start3A_193] : memref<8x128x64xf32, #tpu.memory_space<vmem>> -> memref<1x128x64xf32, #tpu.memory_space<vmem>>
    %dma_start3A_195 = tpu.memref_squeeze %dma_start3A_194 : memref<1x128x64xf32, #tpu.memory_space<vmem>> -> memref<128x64xf32, #tpu.memory_space<vmem>>
    %dma_start3A_196 = arith.constant 896 : i32
    %dma_start3A_197 = tpu.memref_slice %arg5[%dma_start3A_196] : memref<10240xi32, #tpu.memory_space<vmem>> -> memref<128xi32, #tpu.memory_space<vmem>>
    %dma_start3A_198 = arith.constant 0 : i32
    %dma_start3A_199 = arith.constant 0 : i32
    %dma_start3A_200 = tpu.memref_slice %arg3[%dma_start3A_198, %dma_start3A_199] : memref<1000000x64xf32, #tpu.memory_space<hbm>> -> memref<1000000x64xf32, #tpu.memory_space<hbm>>
    tpu.enqueue_indirect_dma source(%dma_start3A_200 : memref<1000000x64xf32, #tpu.memory_space<hbm>>) target(%dma_start3A_195 : memref<128x64xf32, #tpu.memory_space<vmem>>) offsets(%dma_start3A_197 : memref<128xi32, #tpu.memory_space<vmem>>) semaphore(%arg7 : memref<!tpu.dma_semaphore, #tpu.memory_space<semaphore_mem>>)
    %scan3A = arith.constant 0 : i32
    %scan3A_201 = arith.constant 9 : i32
    %scan3A_202 = arith.addi %scan3A, %scan3A_201 : i32
    %scan3A_203 = arith.constant 1 : i32
    scf.for %scan3A_445 = %scan3A to %scan3A_202 step %scan3A_203  : i32 {
      %mul3A_446 = arith.constant 8 : i32
      %mul3A_447 = arith.muli %scan3A_445, %mul3A_446 : i32
      %add3A_448 = arith.constant 4 : i32
      %add3A_449 = arith.addi %add3A_448, %mul3A_447 : i32
      %dma_wait3A_450 = arith.constant 4 : i32
      %dma_wait3A_451 = arith.constant 0 : i32
      %dma_wait3A_452 = arith.constant 0 : i32
      %dma_wait3A_453 = tpu.memref_slice %arg6[%dma_wait3A_450, %dma_wait3A_451, %dma_wait3A_452] : memref<8x128x64xf32, #tpu.memory_space<vmem>> -> memref<1x128x64xf32, #tpu.memory_space<vmem>>
      %dma_wait3A_454 = tpu.memref_squeeze %dma_wait3A_453 : memref<1x128x64xf32, #tpu.memory_space<vmem>> -> memref<128x64xf32, #tpu.memory_space<vmem>>
      %dma_wait3A_455 = arith.constant 0 : i32
      %dma_wait3A_456 = arith.constant 0 : i32
      %dma_wait3A_457 = tpu.memref_slice %arg3[%dma_wait3A_455, %dma_wait3A_456] : memref<1000000x64xf32, #tpu.memory_space<hbm>> -> memref<128x64xf32, #tpu.memory_space<hbm>>
      %dma_wait3A_458 = arith.constant 0 : i32
      %dma_wait3A_459 = arith.constant 0 : i32
      %dma_wait3A_460 = tpu.memref_slice %arg6[%dma_wait3A_450, %dma_wait3A_458, %dma_wait3A_459] : memref<8x128x64xf32, #tpu.memory_space<vmem>> -> memref<1x128x64xf32, #tpu.memory_space<vmem>>
      %dma_wait3A_461 = tpu.memref_squeeze %dma_wait3A_460 : memref<1x128x64xf32, #tpu.memory_space<vmem>> -> memref<128x64xf32, #tpu.memory_space<vmem>>
      %dma_wait3A_462 = arith.constant 0 : i32
      %dma_wait3A_463 = arith.constant 0 : i32
      %dma_wait3A_464 = tpu.memref_slice %arg3[%dma_wait3A_462, %dma_wait3A_463] : memref<1000000x64xf32, #tpu.memory_space<hbm>> -> memref<128x64xf32, #tpu.memory_space<hbm>>
      tpu.wait_dma2 semaphore(%arg7 : memref<!tpu.dma_semaphore, #tpu.memory_space<semaphore_mem>>) src(%dma_wait3A_464 : memref<128x64xf32, #tpu.memory_space<hbm>>) dst(%dma_wait3A_461 : memref<128x64xf32, #tpu.memory_space<vmem>>)
      %add3A_465 = arith.constant 0 : i32
      %add3A_466 = arith.addi %add3A_449, %add3A_465 : i32
      %mul3A_467 = arith.constant 128 : i32
      %mul3A_468 = arith.muli %add3A_466, %mul3A_467 : i32
      %add3A_469 = arith.addi %mul3A_2, %mul3A_468 : i32
      %dma_start3A_470 = arith.constant 4 : i32
      %dma_start3A_471 = arith.constant 0 : i32
      %dma_start3A_472 = arith.constant 0 : i32
      %dma_start3A_473 = tpu.memref_slice %arg6[%dma_start3A_470, %dma_start3A_471, %dma_start3A_472] : memref<8x128x64xf32, #tpu.memory_space<vmem>> -> memref<1x128x64xf32, #tpu.memory_space<vmem>>
      %dma_start3A_474 = tpu.memref_squeeze %dma_start3A_473 : memref<1x128x64xf32, #tpu.memory_space<vmem>> -> memref<128x64xf32, #tpu.memory_space<vmem>>
      %dma_start3A_475 = arith.constant 0 : i32
      %dma_start3A_476 = tpu.memref_slice %arg4[%add3A_469, %dma_start3A_475] : memref<327680x64xf32, #tpu.memory_space<hbm>> -> memref<128x64xf32, #tpu.memory_space<hbm>>
      %dma_start3A_477 = arith.constant 0 : i32
      %dma_start3A_478 = tpu.memref_slice %arg4[%add3A_469, %dma_start3A_477] : memref<327680x64xf32, #tpu.memory_space<hbm>> -> memref<128x64xf32, #tpu.memory_space<hbm>>
      %dma_start3A_479 = arith.constant 0 : i32
      %dma_start3A_480 = arith.constant 0 : i32
      %dma_start3A_481 = tpu.memref_slice %arg6[%dma_start3A_470, %dma_start3A_479, %dma_start3A_480] : memref<8x128x64xf32, #tpu.memory_space<vmem>> -> memref<1x128x64xf32, #tpu.memory_space<vmem>>
      %dma_start3A_482 = tpu.memref_squeeze %dma_start3A_481 : memref<1x128x64xf32, #tpu.memory_space<vmem>> -> memref<128x64xf32, #tpu.memory_space<vmem>>
      tpu.enqueue_dma source(%dma_start3A_482 : memref<128x64xf32, #tpu.memory_space<vmem>>) target(%dma_start3A_478 : memref<128x64xf32, #tpu.memory_space<hbm>>) target_semaphore(%arg8 : memref<!tpu.dma_semaphore, #tpu.memory_space<semaphore_mem>>)
      %dma_wait3A_483 = arith.constant 0 : i32
      %dma_wait3A_484 = arith.constant 0 : i32
      %dma_wait3A_485 = arith.constant 0 : i32
      %dma_wait3A_486 = tpu.memref_slice %arg6[%dma_wait3A_483, %dma_wait3A_484, %dma_wait3A_485] : memref<8x128x64xf32, #tpu.memory_space<vmem>> -> memref<1x128x64xf32, #tpu.memory_space<vmem>>
      %dma_wait3A_487 = tpu.memref_squeeze %dma_wait3A_486 : memref<1x128x64xf32, #tpu.memory_space<vmem>> -> memref<128x64xf32, #tpu.memory_space<vmem>>
      %dma_wait3A_488 = arith.constant 0 : i32
      %dma_wait3A_489 = arith.constant 0 : i32
      %dma_wait3A_490 = tpu.memref_slice %arg3[%dma_wait3A_488, %dma_wait3A_489] : memref<1000000x64xf32, #tpu.memory_space<hbm>> -> memref<128x64xf32, #tpu.memory_space<hbm>>
      %dma_wait3A_491 = arith.constant 0 : i32
      %dma_wait3A_492 = arith.constant 0 : i32
      %dma_wait3A_493 = tpu.memref_slice %arg6[%dma_wait3A_483, %dma_wait3A_491, %dma_wait3A_492] : memref<8x128x64xf32, #tpu.memory_space<vmem>> -> memref<1x128x64xf32, #tpu.memory_space<vmem>>
      %dma_wait3A_494 = tpu.memref_squeeze %dma_wait3A_493 : memref<1x128x64xf32, #tpu.memory_space<vmem>> -> memref<128x64xf32, #tpu.memory_space<vmem>>
      %dma_wait3A_495 = arith.constant 0 : i32
      %dma_wait3A_496 = arith.constant 0 : i32
      %dma_wait3A_497 = tpu.memref_slice %arg3[%dma_wait3A_495, %dma_wait3A_496] : memref<1000000x64xf32, #tpu.memory_space<hbm>> -> memref<128x64xf32, #tpu.memory_space<hbm>>
      tpu.wait_dma2 semaphore(%arg8 : memref<!tpu.dma_semaphore, #tpu.memory_space<semaphore_mem>>) src(%dma_wait3A_497 : memref<128x64xf32, #tpu.memory_space<hbm>>) dst(%dma_wait3A_494 : memref<128x64xf32, #tpu.memory_space<vmem>>)
      %add3A_498 = arith.constant 0 : i32
      %add3A_499 = arith.addi %add3A_449, %add3A_498 : i32
      %add3A_500 = arith.constant 4 : i32
      %add3A_501 = arith.addi %add3A_499, %add3A_500 : i32
      %mul3A_502 = arith.constant 128 : i32
      %mul3A_503 = arith.muli %add3A_501, %mul3A_502 : i32
      %dma_start3A_504 = arith.constant 0 : i32
      %dma_start3A_505 = arith.constant 0 : i32
      %dma_start3A_506 = arith.constant 0 : i32
      %dma_start3A_507 = tpu.memref_slice %arg6[%dma_start3A_504, %dma_start3A_505, %dma_start3A_506] : memref<8x128x64xf32, #tpu.memory_space<vmem>> -> memref<1x128x64xf32, #tpu.memory_space<vmem>>
      %dma_start3A_508 = tpu.memref_squeeze %dma_start3A_507 : memref<1x128x64xf32, #tpu.memory_space<vmem>> -> memref<128x64xf32, #tpu.memory_space<vmem>>
      %dma_start3A_509 = tpu.memref_slice %arg5[%mul3A_503] : memref<10240xi32, #tpu.memory_space<vmem>> -> memref<128xi32, #tpu.memory_space<vmem>>
      %dma_start3A_510 = arith.constant 0 : i32
      %dma_start3A_511 = arith.constant 0 : i32
      %dma_start3A_512 = tpu.memref_slice %arg3[%dma_start3A_510, %dma_start3A_511] : memref<1000000x64xf32, #tpu.memory_space<hbm>> -> memref<1000000x64xf32, #tpu.memory_space<hbm>>
      tpu.enqueue_indirect_dma source(%dma_start3A_512 : memref<1000000x64xf32, #tpu.memory_space<hbm>>) target(%dma_start3A_508 : memref<128x64xf32, #tpu.memory_space<vmem>>) offsets(%dma_start3A_509 : memref<128xi32, #tpu.memory_space<vmem>>) semaphore(%arg7 : memref<!tpu.dma_semaphore, #tpu.memory_space<semaphore_mem>>)
      %dma_wait3A_513 = arith.constant 5 : i32
      %dma_wait3A_514 = arith.constant 0 : i32
      %dma_wait3A_515 = arith.constant 0 : i32
      %dma_wait3A_516 = tpu.memref_slice %arg6[%dma_wait3A_513, %dma_wait3A_514, %dma_wait3A_515] : memref<8x128x64xf32, #tpu.memory_space<vmem>> -> memref<1x128x64xf32, #tpu.memory_space<vmem>>
      %dma_wait3A_517 = tpu.memref_squeeze %dma_wait3A_516 : memref<1x128x64xf32, #tpu.memory_space<vmem>> -> memref<128x64xf32, #tpu.memory_space<vmem>>
      %dma_wait3A_518 = arith.constant 0 : i32
      %dma_wait3A_519 = arith.constant 0 : i32
      %dma_wait3A_520 = tpu.memref_slice %arg3[%dma_wait3A_518, %dma_wait3A_519] : memref<1000000x64xf32, #tpu.memory_space<hbm>> -> memref<128x64xf32, #tpu.memory_space<hbm>>
      %dma_wait3A_521 = arith.constant 0 : i32
      %dma_wait3A_522 = arith.constant 0 : i32
      %dma_wait3A_523 = tpu.memref_slice %arg6[%dma_wait3A_513, %dma_wait3A_521, %dma_wait3A_522] : memref<8x128x64xf32, #tpu.memory_space<vmem>> -> memref<1x128x64xf32, #tpu.memory_space<vmem>>
      %dma_wait3A_524 = tpu.memref_squeeze %dma_wait3A_523 : memref<1x128x64xf32, #tpu.memory_space<vmem>> -> memref<128x64xf32, #tpu.memory_space<vmem>>
      %dma_wait3A_525 = arith.constant 0 : i32
      %dma_wait3A_526 = arith.constant 0 : i32
      %dma_wait3A_527 = tpu.memref_slice %arg3[%dma_wait3A_525, %dma_wait3A_526] : memref<1000000x64xf32, #tpu.memory_space<hbm>> -> memref<128x64xf32, #tpu.memory_space<hbm>>
      tpu.wait_dma2 semaphore(%arg7 : memref<!tpu.dma_semaphore, #tpu.memory_space<semaphore_mem>>) src(%dma_wait3A_527 : memref<128x64xf32, #tpu.memory_space<hbm>>) dst(%dma_wait3A_524 : memref<128x64xf32, #tpu.memory_space<vmem>>)
      %add3A_528 = arith.constant 1 : i32
      %add3A_529 = arith.addi %add3A_449, %add3A_528 : i32
      %mul3A_530 = arith.constant 128 : i32
      %mul3A_531 = arith.muli %add3A_529, %mul3A_530 : i32
      %add3A_532 = arith.addi %mul3A_2, %mul3A_531 : i32
      %dma_start3A_533 = arith.constant 5 : i32
      %dma_start3A_534 = arith.constant 0 : i32
      %dma_start3A_535 = arith.constant 0 : i32
      %dma_start3A_536 = tpu.memref_slice %arg6[%dma_start3A_533, %dma_start3A_534, %dma_start3A_535] : memref<8x128x64xf32, #tpu.memory_space<vmem>> -> memref<1x128x64xf32, #tpu.memory_space<vmem>>
      %dma_start3A_537 = tpu.memref_squeeze %dma_start3A_536 : memref<1x128x64xf32, #tpu.memory_space<vmem>> -> memref<128x64xf32, #tpu.memory_space<vmem>>
      %dma_start3A_538 = arith.constant 0 : i32
      %dma_start3A_539 = tpu.memref_slice %arg4[%add3A_532, %dma_start3A_538] : memref<327680x64xf32, #tpu.memory_space<hbm>> -> memref<128x64xf32, #tpu.memory_space<hbm>>
      %dma_start3A_540 = arith.constant 0 : i32
      %dma_start3A_541 = tpu.memref_slice %arg4[%add3A_532, %dma_start3A_540] : memref<327680x64xf32, #tpu.memory_space<hbm>> -> memref<128x64xf32, #tpu.memory_space<hbm>>
      %dma_start3A_542 = arith.constant 0 : i32
      %dma_start3A_543 = arith.constant 0 : i32
      %dma_start3A_544 = tpu.memref_slice %arg6[%dma_start3A_533, %dma_start3A_542, %dma_start3A_543] : memref<8x128x64xf32, #tpu.memory_space<vmem>> -> memref<1x128x64xf32, #tpu.memory_space<vmem>>
      %dma_start3A_545 = tpu.memref_squeeze %dma_start3A_544 : memref<1x128x64xf32, #tpu.memory_space<vmem>> -> memref<128x64xf32, #tpu.memory_space<vmem>>
      tpu.enqueue_dma source(%dma_start3A_545 : memref<128x64xf32, #tpu.memory_space<vmem>>) target(%dma_start3A_541 : memref<128x64xf32, #tpu.memory_space<hbm>>) target_semaphore(%arg8 : memref<!tpu.dma_semaphore, #tpu.memory_space<semaphore_mem>>)
      %dma_wait3A_546 = arith.constant 1 : i32
      %dma_wait3A_547 = arith.constant 0 : i32
      %dma_wait3A_548 = arith.constant 0 : i32
      %dma_wait3A_549 = tpu.memref_slice %arg6[%dma_wait3A_546, %dma_wait3A_547, %dma_wait3A_548] : memref<8x128x64xf32, #tpu.memory_space<vmem>> -> memref<1x128x64xf32, #tpu.memory_space<vmem>>
      %dma_wait3A_550 = tpu.memref_squeeze %dma_wait3A_549 : memref<1x128x64xf32, #tpu.memory_space<vmem>> -> memref<128x64xf32, #tpu.memory_space<vmem>>
      %dma_wait3A_551 = arith.constant 0 : i32
      %dma_wait3A_552 = arith.constant 0 : i32
      %dma_wait3A_553 = tpu.memref_slice %arg3[%dma_wait3A_551, %dma_wait3A_552] : memref<1000000x64xf32, #tpu.memory_space<hbm>> -> memref<128x64xf32, #tpu.memory_space<hbm>>
      %dma_wait3A_554 = arith.constant 0 : i32
      %dma_wait3A_555 = arith.constant 0 : i32
      %dma_wait3A_556 = tpu.memref_slice %arg6[%dma_wait3A_546, %dma_wait3A_554, %dma_wait3A_555] : memref<8x128x64xf32, #tpu.memory_space<vmem>> -> memref<1x128x64xf32, #tpu.memory_space<vmem>>
      %dma_wait3A_557 = tpu.memref_squeeze %dma_wait3A_556 : memref<1x128x64xf32, #tpu.memory_space<vmem>> -> memref<128x64xf32, #tpu.memory_space<vmem>>
      %dma_wait3A_558 = arith.constant 0 : i32
      %dma_wait3A_559 = arith.constant 0 : i32
      %dma_wait3A_560 = tpu.memref_slice %arg3[%dma_wait3A_558, %dma_wait3A_559] : memref<1000000x64xf32, #tpu.memory_space<hbm>> -> memref<128x64xf32, #tpu.memory_space<hbm>>
      tpu.wait_dma2 semaphore(%arg8 : memref<!tpu.dma_semaphore, #tpu.memory_space<semaphore_mem>>) src(%dma_wait3A_560 : memref<128x64xf32, #tpu.memory_space<hbm>>) dst(%dma_wait3A_557 : memref<128x64xf32, #tpu.memory_space<vmem>>)
      %add3A_561 = arith.constant 1 : i32
      %add3A_562 = arith.addi %add3A_449, %add3A_561 : i32
      %add3A_563 = arith.constant 4 : i32
      %add3A_564 = arith.addi %add3A_562, %add3A_563 : i32
      %mul3A_565 = arith.constant 128 : i32
      %mul3A_566 = arith.muli %add3A_564, %mul3A_565 : i32
      %dma_start3A_567 = arith.constant 1 : i32
      %dma_start3A_568 = arith.constant 0 : i32
      %dma_start3A_569 = arith.constant 0 : i32
      %dma_start3A_570 = tpu.memref_slice %arg6[%dma_start3A_567, %dma_start3A_568, %dma_start3A_569] : memref<8x128x64xf32, #tpu.memory_space<vmem>> -> memref<1x128x64xf32, #tpu.memory_space<vmem>>
      %dma_start3A_571 = tpu.memref_squeeze %dma_start3A_570 : memref<1x128x64xf32, #tpu.memory_space<vmem>> -> memref<128x64xf32, #tpu.memory_space<vmem>>
      %dma_start3A_572 = tpu.memref_slice %arg5[%mul3A_566] : memref<10240xi32, #tpu.memory_space<vmem>> -> memref<128xi32, #tpu.memory_space<vmem>>
      %dma_start3A_573 = arith.constant 0 : i32
      %dma_start3A_574 = arith.constant 0 : i32
      %dma_start3A_575 = tpu.memref_slice %arg3[%dma_start3A_573, %dma_start3A_574] : memref<1000000x64xf32, #tpu.memory_space<hbm>> -> memref<1000000x64xf32, #tpu.memory_space<hbm>>
      tpu.enqueue_indirect_dma source(%dma_start3A_575 : memref<1000000x64xf32, #tpu.memory_space<hbm>>) target(%dma_start3A_571 : memref<128x64xf32, #tpu.memory_space<vmem>>) offsets(%dma_start3A_572 : memref<128xi32, #tpu.memory_space<vmem>>) semaphore(%arg7 : memref<!tpu.dma_semaphore, #tpu.memory_space<semaphore_mem>>)
      %dma_wait3A_576 = arith.constant 6 : i32
      %dma_wait3A_577 = arith.constant 0 : i32
      %dma_wait3A_578 = arith.constant 0 : i32
      %dma_wait3A_579 = tpu.memref_slice %arg6[%dma_wait3A_576, %dma_wait3A_577, %dma_wait3A_578] : memref<8x128x64xf32, #tpu.memory_space<vmem>> -> memref<1x128x64xf32, #tpu.memory_space<vmem>>
      %dma_wait3A_580 = tpu.memref_squeeze %dma_wait3A_579 : memref<1x128x64xf32, #tpu.memory_space<vmem>> -> memref<128x64xf32, #tpu.memory_space<vmem>>
      %dma_wait3A_581 = arith.constant 0 : i32
      %dma_wait3A_582 = arith.constant 0 : i32
      %dma_wait3A_583 = tpu.memref_slice %arg3[%dma_wait3A_581, %dma_wait3A_582] : memref<1000000x64xf32, #tpu.memory_space<hbm>> -> memref<128x64xf32, #tpu.memory_space<hbm>>
      %dma_wait3A_584 = arith.constant 0 : i32
      %dma_wait3A_585 = arith.constant 0 : i32
      %dma_wait3A_586 = tpu.memref_slice %arg6[%dma_wait3A_576, %dma_wait3A_584, %dma_wait3A_585] : memref<8x128x64xf32, #tpu.memory_space<vmem>> -> memref<1x128x64xf32, #tpu.memory_space<vmem>>
      %dma_wait3A_587 = tpu.memref_squeeze %dma_wait3A_586 : memref<1x128x64xf32, #tpu.memory_space<vmem>> -> memref<128x64xf32, #tpu.memory_space<vmem>>
      %dma_wait3A_588 = arith.constant 0 : i32
      %dma_wait3A_589 = arith.constant 0 : i32
      %dma_wait3A_590 = tpu.memref_slice %arg3[%dma_wait3A_588, %dma_wait3A_589] : memref<1000000x64xf32, #tpu.memory_space<hbm>> -> memref<128x64xf32, #tpu.memory_space<hbm>>
      tpu.wait_dma2 semaphore(%arg7 : memref<!tpu.dma_semaphore, #tpu.memory_space<semaphore_mem>>) src(%dma_wait3A_590 : memref<128x64xf32, #tpu.memory_space<hbm>>) dst(%dma_wait3A_587 : memref<128x64xf32, #tpu.memory_space<vmem>>)
      %add3A_591 = arith.constant 2 : i32
      %add3A_592 = arith.addi %add3A_449, %add3A_591 : i32
      %mul3A_593 = arith.constant 128 : i32
      %mul3A_594 = arith.muli %add3A_592, %mul3A_593 : i32
      %add3A_595 = arith.addi %mul3A_2, %mul3A_594 : i32
      %dma_start3A_596 = arith.constant 6 : i32
      %dma_start3A_597 = arith.constant 0 : i32
      %dma_start3A_598 = arith.constant 0 : i32
      %dma_start3A_599 = tpu.memref_slice %arg6[%dma_start3A_596, %dma_start3A_597, %dma_start3A_598] : memref<8x128x64xf32, #tpu.memory_space<vmem>> -> memref<1x128x64xf32, #tpu.memory_space<vmem>>
      %dma_start3A_600 = tpu.memref_squeeze %dma_start3A_599 : memref<1x128x64xf32, #tpu.memory_space<vmem>> -> memref<128x64xf32, #tpu.memory_space<vmem>>
      %dma_start3A_601 = arith.constant 0 : i32
      %dma_start3A_602 = tpu.memref_slice %arg4[%add3A_595, %dma_start3A_601] : memref<327680x64xf32, #tpu.memory_space<hbm>> -> memref<128x64xf32, #tpu.memory_space<hbm>>
      %dma_start3A_603 = arith.constant 0 : i32
      %dma_start3A_604 = tpu.memref_slice %arg4[%add3A_595, %dma_start3A_603] : memref<327680x64xf32, #tpu.memory_space<hbm>> -> memref<128x64xf32, #tpu.memory_space<hbm>>
      %dma_start3A_605 = arith.constant 0 : i32
      %dma_start3A_606 = arith.constant 0 : i32
      %dma_start3A_607 = tpu.memref_slice %arg6[%dma_start3A_596, %dma_start3A_605, %dma_start3A_606] : memref<8x128x64xf32, #tpu.memory_space<vmem>> -> memref<1x128x64xf32, #tpu.memory_space<vmem>>
      %dma_start3A_608 = tpu.memref_squeeze %dma_start3A_607 : memref<1x128x64xf32, #tpu.memory_space<vmem>> -> memref<128x64xf32, #tpu.memory_space<vmem>>
      tpu.enqueue_dma source(%dma_start3A_608 : memref<128x64xf32, #tpu.memory_space<vmem>>) target(%dma_start3A_604 : memref<128x64xf32, #tpu.memory_space<hbm>>) target_semaphore(%arg8 : memref<!tpu.dma_semaphore, #tpu.memory_space<semaphore_mem>>)
      %dma_wait3A_609 = arith.constant 2 : i32
      %dma_wait3A_610 = arith.constant 0 : i32
      %dma_wait3A_611 = arith.constant 0 : i32
      %dma_wait3A_612 = tpu.memref_slice %arg6[%dma_wait3A_609, %dma_wait3A_610, %dma_wait3A_611] : memref<8x128x64xf32, #tpu.memory_space<vmem>> -> memref<1x128x64xf32, #tpu.memory_space<vmem>>
      %dma_wait3A_613 = tpu.memref_squeeze %dma_wait3A_612 : memref<1x128x64xf32, #tpu.memory_space<vmem>> -> memref<128x64xf32, #tpu.memory_space<vmem>>
      %dma_wait3A_614 = arith.constant 0 : i32
      %dma_wait3A_615 = arith.constant 0 : i32
      %dma_wait3A_616 = tpu.memref_slice %arg3[%dma_wait3A_614, %dma_wait3A_615] : memref<1000000x64xf32, #tpu.memory_space<hbm>> -> memref<128x64xf32, #tpu.memory_space<hbm>>
      %dma_wait3A_617 = arith.constant 0 : i32
      %dma_wait3A_618 = arith.constant 0 : i32
      %dma_wait3A_619 = tpu.memref_slice %arg6[%dma_wait3A_609, %dma_wait3A_617, %dma_wait3A_618] : memref<8x128x64xf32, #tpu.memory_space<vmem>> -> memref<1x128x64xf32, #tpu.memory_space<vmem>>
      %dma_wait3A_620 = tpu.memref_squeeze %dma_wait3A_619 : memref<1x128x64xf32, #tpu.memory_space<vmem>> -> memref<128x64xf32, #tpu.memory_space<vmem>>
      %dma_wait3A_621 = arith.constant 0 : i32
      %dma_wait3A_622 = arith.constant 0 : i32
      %dma_wait3A_623 = tpu.memref_slice %arg3[%dma_wait3A_621, %dma_wait3A_622] : memref<1000000x64xf32, #tpu.memory_space<hbm>> -> memref<128x64xf32, #tpu.memory_space<hbm>>
      tpu.wait_dma2 semaphore(%arg8 : memref<!tpu.dma_semaphore, #tpu.memory_space<semaphore_mem>>) src(%dma_wait3A_623 : memref<128x64xf32, #tpu.memory_space<hbm>>) dst(%dma_wait3A_620 : memref<128x64xf32, #tpu.memory_space<vmem>>)
      %add3A_624 = arith.constant 2 : i32
      %add3A_625 = arith.addi %add3A_449, %add3A_624 : i32
      %add3A_626 = arith.constant 4 : i32
      %add3A_627 = arith.addi %add3A_625, %add3A_626 : i32
      %mul3A_628 = arith.constant 128 : i32
      %mul3A_629 = arith.muli %add3A_627, %mul3A_628 : i32
      %dma_start3A_630 = arith.constant 2 : i32
      %dma_start3A_631 = arith.constant 0 : i32
      %dma_start3A_632 = arith.constant 0 : i32
      %dma_start3A_633 = tpu.memref_slice %arg6[%dma_start3A_630, %dma_start3A_631, %dma_start3A_632] : memref<8x128x64xf32, #tpu.memory_space<vmem>> -> memref<1x128x64xf32, #tpu.memory_space<vmem>>
      %dma_start3A_634 = tpu.memref_squeeze %dma_start3A_633 : memref<1x128x64xf32, #tpu.memory_space<vmem>> -> memref<128x64xf32, #tpu.memory_space<vmem>>
      %dma_start3A_635 = tpu.memref_slice %arg5[%mul3A_629] : memref<10240xi32, #tpu.memory_space<vmem>> -> memref<128xi32, #tpu.memory_space<vmem>>
      %dma_start3A_636 = arith.constant 0 : i32
      %dma_start3A_637 = arith.constant 0 : i32
      %dma_start3A_638 = tpu.memref_slice %arg3[%dma_start3A_636, %dma_start3A_637] : memref<1000000x64xf32, #tpu.memory_space<hbm>> -> memref<1000000x64xf32, #tpu.memory_space<hbm>>
      tpu.enqueue_indirect_dma source(%dma_start3A_638 : memref<1000000x64xf32, #tpu.memory_space<hbm>>) target(%dma_start3A_634 : memref<128x64xf32, #tpu.memory_space<vmem>>) offsets(%dma_start3A_635 : memref<128xi32, #tpu.memory_space<vmem>>) semaphore(%arg7 : memref<!tpu.dma_semaphore, #tpu.memory_space<semaphore_mem>>)
      %dma_wait3A_639 = arith.constant 7 : i32
      %dma_wait3A_640 = arith.constant 0 : i32
      %dma_wait3A_641 = arith.constant 0 : i32
      %dma_wait3A_642 = tpu.memref_slice %arg6[%dma_wait3A_639, %dma_wait3A_640, %dma_wait3A_641] : memref<8x128x64xf32, #tpu.memory_space<vmem>> -> memref<1x128x64xf32, #tpu.memory_space<vmem>>
      %dma_wait3A_643 = tpu.memref_squeeze %dma_wait3A_642 : memref<1x128x64xf32, #tpu.memory_space<vmem>> -> memref<128x64xf32, #tpu.memory_space<vmem>>
      %dma_wait3A_644 = arith.constant 0 : i32
      %dma_wait3A_645 = arith.constant 0 : i32
      %dma_wait3A_646 = tpu.memref_slice %arg3[%dma_wait3A_644, %dma_wait3A_645] : memref<1000000x64xf32, #tpu.memory_space<hbm>> -> memref<128x64xf32, #tpu.memory_space<hbm>>
      %dma_wait3A_647 = arith.constant 0 : i32
      %dma_wait3A_648 = arith.constant 0 : i32
      %dma_wait3A_649 = tpu.memref_slice %arg6[%dma_wait3A_639, %dma_wait3A_647, %dma_wait3A_648] : memref<8x128x64xf32, #tpu.memory_space<vmem>> -> memref<1x128x64xf32, #tpu.memory_space<vmem>>
      %dma_wait3A_650 = tpu.memref_squeeze %dma_wait3A_649 : memref<1x128x64xf32, #tpu.memory_space<vmem>> -> memref<128x64xf32, #tpu.memory_space<vmem>>
      %dma_wait3A_651 = arith.constant 0 : i32
      %dma_wait3A_652 = arith.constant 0 : i32
      %dma_wait3A_653 = tpu.memref_slice %arg3[%dma_wait3A_651, %dma_wait3A_652] : memref<1000000x64xf32, #tpu.memory_space<hbm>> -> memref<128x64xf32, #tpu.memory_space<hbm>>
      tpu.wait_dma2 semaphore(%arg7 : memref<!tpu.dma_semaphore, #tpu.memory_space<semaphore_mem>>) src(%dma_wait3A_653 : memref<128x64xf32, #tpu.memory_space<hbm>>) dst(%dma_wait3A_650 : memref<128x64xf32, #tpu.memory_space<vmem>>)
      %add3A_654 = arith.constant 3 : i32
      %add3A_655 = arith.addi %add3A_449, %add3A_654 : i32
      %mul3A_656 = arith.constant 128 : i32
      %mul3A_657 = arith.muli %add3A_655, %mul3A_656 : i32
      %add3A_658 = arith.addi %mul3A_2, %mul3A_657 : i32
      %dma_start3A_659 = arith.constant 7 : i32
      %dma_start3A_660 = arith.constant 0 : i32
      %dma_start3A_661 = arith.constant 0 : i32
      %dma_start3A_662 = tpu.memref_slice %arg6[%dma_start3A_659, %dma_start3A_660, %dma_start3A_661] : memref<8x128x64xf32, #tpu.memory_space<vmem>> -> memref<1x128x64xf32, #tpu.memory_space<vmem>>
      %dma_start3A_663 = tpu.memref_squeeze %dma_start3A_662 : memref<1x128x64xf32, #tpu.memory_space<vmem>> -> memref<128x64xf32, #tpu.memory_space<vmem>>
      %dma_start3A_664 = arith.constant 0 : i32
      %dma_start3A_665 = tpu.memref_slice %arg4[%add3A_658, %dma_start3A_664] : memref<327680x64xf32, #tpu.memory_space<hbm>> -> memref<128x64xf32, #tpu.memory_space<hbm>>
      %dma_start3A_666 = arith.constant 0 : i32
      %dma_start3A_667 = tpu.memref_slice %arg4[%add3A_658, %dma_start3A_666] : memref<327680x64xf32, #tpu.memory_space<hbm>> -> memref<128x64xf32, #tpu.memory_space<hbm>>
      %dma_start3A_668 = arith.constant 0 : i32
      %dma_start3A_669 = arith.constant 0 : i32
      %dma_start3A_670 = tpu.memref_slice %arg6[%dma_start3A_659, %dma_start3A_668, %dma_start3A_669] : memref<8x128x64xf32, #tpu.memory_space<vmem>> -> memref<1x128x64xf32, #tpu.memory_space<vmem>>
      %dma_start3A_671 = tpu.memref_squeeze %dma_start3A_670 : memref<1x128x64xf32, #tpu.memory_space<vmem>> -> memref<128x64xf32, #tpu.memory_space<vmem>>
      tpu.enqueue_dma source(%dma_start3A_671 : memref<128x64xf32, #tpu.memory_space<vmem>>) target(%dma_start3A_667 : memref<128x64xf32, #tpu.memory_space<hbm>>) target_semaphore(%arg8 : memref<!tpu.dma_semaphore, #tpu.memory_space<semaphore_mem>>)
      %dma_wait3A_672 = arith.constant 3 : i32
      %dma_wait3A_673 = arith.constant 0 : i32
      %dma_wait3A_674 = arith.constant 0 : i32
      %dma_wait3A_675 = tpu.memref_slice %arg6[%dma_wait3A_672, %dma_wait3A_673, %dma_wait3A_674] : memref<8x128x64xf32, #tpu.memory_space<vmem>> -> memref<1x128x64xf32, #tpu.memory_space<vmem>>
      %dma_wait3A_676 = tpu.memref_squeeze %dma_wait3A_675 : memref<1x128x64xf32, #tpu.memory_space<vmem>> -> memref<128x64xf32, #tpu.memory_space<vmem>>
      %dma_wait3A_677 = arith.constant 0 : i32
      %dma_wait3A_678 = arith.constant 0 : i32
      %dma_wait3A_679 = tpu.memref_slice %arg3[%dma_wait3A_677, %dma_wait3A_678] : memref<1000000x64xf32, #tpu.memory_space<hbm>> -> memref<128x64xf32, #tpu.memory_space<hbm>>
      %dma_wait3A_680 = arith.constant 0 : i32
      %dma_wait3A_681 = arith.constant 0 : i32
      %dma_wait3A_682 = tpu.memref_slice %arg6[%dma_wait3A_672, %dma_wait3A_680, %dma_wait3A_681] : memref<8x128x64xf32, #tpu.memory_space<vmem>> -> memref<1x128x64xf32, #tpu.memory_space<vmem>>
      %dma_wait3A_683 = tpu.memref_squeeze %dma_wait3A_682 : memref<1x128x64xf32, #tpu.memory_space<vmem>> -> memref<128x64xf32, #tpu.memory_space<vmem>>
      %dma_wait3A_684 = arith.constant 0 : i32
      %dma_wait3A_685 = arith.constant 0 : i32
      %dma_wait3A_686 = tpu.memref_slice %arg3[%dma_wait3A_684, %dma_wait3A_685] : memref<1000000x64xf32, #tpu.memory_space<hbm>> -> memref<128x64xf32, #tpu.memory_space<hbm>>
      tpu.wait_dma2 semaphore(%arg8 : memref<!tpu.dma_semaphore, #tpu.memory_space<semaphore_mem>>) src(%dma_wait3A_686 : memref<128x64xf32, #tpu.memory_space<hbm>>) dst(%dma_wait3A_683 : memref<128x64xf32, #tpu.memory_space<vmem>>)
      %add3A_687 = arith.constant 3 : i32
      %add3A_688 = arith.addi %add3A_449, %add3A_687 : i32
      %add3A_689 = arith.constant 4 : i32
      %add3A_690 = arith.addi %add3A_688, %add3A_689 : i32
      %mul3A_691 = arith.constant 128 : i32
      %mul3A_692 = arith.muli %add3A_690, %mul3A_691 : i32
      %dma_start3A_693 = arith.constant 3 : i32
      %dma_start3A_694 = arith.constant 0 : i32
      %dma_start3A_695 = arith.constant 0 : i32
      %dma_start3A_696 = tpu.memref_slice %arg6[%dma_start3A_693, %dma_start3A_694, %dma_start3A_695] : memref<8x128x64xf32, #tpu.memory_space<vmem>> -> memref<1x128x64xf32, #tpu.memory_space<vmem>>
      %dma_start3A_697 = tpu.memref_squeeze %dma_start3A_696 : memref<1x128x64xf32, #tpu.memory_space<vmem>> -> memref<128x64xf32, #tpu.memory_space<vmem>>
      %dma_start3A_698 = tpu.memref_slice %arg5[%mul3A_692] : memref<10240xi32, #tpu.memory_space<vmem>> -> memref<128xi32, #tpu.memory_space<vmem>>
      %dma_start3A_699 = arith.constant 0 : i32
      %dma_start3A_700 = arith.constant 0 : i32
      %dma_start3A_701 = tpu.memref_slice %arg3[%dma_start3A_699, %dma_start3A_700] : memref<1000000x64xf32, #tpu.memory_space<hbm>> -> memref<1000000x64xf32, #tpu.memory_space<hbm>>
      tpu.enqueue_indirect_dma source(%dma_start3A_701 : memref<1000000x64xf32, #tpu.memory_space<hbm>>) target(%dma_start3A_697 : memref<128x64xf32, #tpu.memory_space<vmem>>) offsets(%dma_start3A_698 : memref<128xi32, #tpu.memory_space<vmem>>) semaphore(%arg7 : memref<!tpu.dma_semaphore, #tpu.memory_space<semaphore_mem>>)
      %dma_wait3A_702 = arith.constant 0 : i32
      %dma_wait3A_703 = arith.constant 0 : i32
      %dma_wait3A_704 = arith.constant 0 : i32
      %dma_wait3A_705 = tpu.memref_slice %arg6[%dma_wait3A_702, %dma_wait3A_703, %dma_wait3A_704] : memref<8x128x64xf32, #tpu.memory_space<vmem>> -> memref<1x128x64xf32, #tpu.memory_space<vmem>>
      %dma_wait3A_706 = tpu.memref_squeeze %dma_wait3A_705 : memref<1x128x64xf32, #tpu.memory_space<vmem>> -> memref<128x64xf32, #tpu.memory_space<vmem>>
      %dma_wait3A_707 = arith.constant 0 : i32
      %dma_wait3A_708 = arith.constant 0 : i32
      %dma_wait3A_709 = tpu.memref_slice %arg3[%dma_wait3A_707, %dma_wait3A_708] : memref<1000000x64xf32, #tpu.memory_space<hbm>> -> memref<128x64xf32, #tpu.memory_space<hbm>>
      %dma_wait3A_710 = arith.constant 0 : i32
      %dma_wait3A_711 = arith.constant 0 : i32
      %dma_wait3A_712 = tpu.memref_slice %arg6[%dma_wait3A_702, %dma_wait3A_710, %dma_wait3A_711] : memref<8x128x64xf32, #tpu.memory_space<vmem>> -> memref<1x128x64xf32, #tpu.memory_space<vmem>>
      %dma_wait3A_713 = tpu.memref_squeeze %dma_wait3A_712 : memref<1x128x64xf32, #tpu.memory_space<vmem>> -> memref<128x64xf32, #tpu.memory_space<vmem>>
      %dma_wait3A_714 = arith.constant 0 : i32
      %dma_wait3A_715 = arith.constant 0 : i32
      %dma_wait3A_716 = tpu.memref_slice %arg3[%dma_wait3A_714, %dma_wait3A_715] : memref<1000000x64xf32, #tpu.memory_space<hbm>> -> memref<128x64xf32, #tpu.memory_space<hbm>>
      tpu.wait_dma2 semaphore(%arg7 : memref<!tpu.dma_semaphore, #tpu.memory_space<semaphore_mem>>) src(%dma_wait3A_716 : memref<128x64xf32, #tpu.memory_space<hbm>>) dst(%dma_wait3A_713 : memref<128x64xf32, #tpu.memory_space<vmem>>)
      %add3A_717 = arith.constant 4 : i32
      %add3A_718 = arith.addi %add3A_449, %add3A_717 : i32
      %mul3A_719 = arith.constant 128 : i32
      %mul3A_720 = arith.muli %add3A_718, %mul3A_719 : i32
      %add3A_721 = arith.addi %mul3A_2, %mul3A_720 : i32
      %dma_start3A_722 = arith.constant 0 : i32
      %dma_start3A_723 = arith.constant 0 : i32
      %dma_start3A_724 = arith.constant 0 : i32
      %dma_start3A_725 = tpu.memref_slice %arg6[%dma_start3A_722, %dma_start3A_723, %dma_start3A_724] : memref<8x128x64xf32, #tpu.memory_space<vmem>> -> memref<1x128x64xf32, #tpu.memory_space<vmem>>
      %dma_start3A_726 = tpu.memref_squeeze %dma_start3A_725 : memref<1x128x64xf32, #tpu.memory_space<vmem>> -> memref<128x64xf32, #tpu.memory_space<vmem>>
      %dma_start3A_727 = arith.constant 0 : i32
      %dma_start3A_728 = tpu.memref_slice %arg4[%add3A_721, %dma_start3A_727] : memref<327680x64xf32, #tpu.memory_space<hbm>> -> memref<128x64xf32, #tpu.memory_space<hbm>>
      %dma_start3A_729 = arith.constant 0 : i32
      %dma_start3A_730 = tpu.memref_slice %arg4[%add3A_721, %dma_start3A_729] : memref<327680x64xf32, #tpu.memory_space<hbm>> -> memref<128x64xf32, #tpu.memory_space<hbm>>
      %dma_start3A_731 = arith.constant 0 : i32
      %dma_start3A_732 = arith.constant 0 : i32
      %dma_start3A_733 = tpu.memref_slice %arg6[%dma_start3A_722, %dma_start3A_731, %dma_start3A_732] : memref<8x128x64xf32, #tpu.memory_space<vmem>> -> memref<1x128x64xf32, #tpu.memory_space<vmem>>
      %dma_start3A_734 = tpu.memref_squeeze %dma_start3A_733 : memref<1x128x64xf32, #tpu.memory_space<vmem>> -> memref<128x64xf32, #tpu.memory_space<vmem>>
      tpu.enqueue_dma source(%dma_start3A_734 : memref<128x64xf32, #tpu.memory_space<vmem>>) target(%dma_start3A_730 : memref<128x64xf32, #tpu.memory_space<hbm>>) target_semaphore(%arg8 : memref<!tpu.dma_semaphore, #tpu.memory_space<semaphore_mem>>)
      %dma_wait3A_735 = arith.constant 4 : i32
      %dma_wait3A_736 = arith.constant 0 : i32
      %dma_wait3A_737 = arith.constant 0 : i32
      %dma_wait3A_738 = tpu.memref_slice %arg6[%dma_wait3A_735, %dma_wait3A_736, %dma_wait3A_737] : memref<8x128x64xf32, #tpu.memory_space<vmem>> -> memref<1x128x64xf32, #tpu.memory_space<vmem>>
      %dma_wait3A_739 = tpu.memref_squeeze %dma_wait3A_738 : memref<1x128x64xf32, #tpu.memory_space<vmem>> -> memref<128x64xf32, #tpu.memory_space<vmem>>
      %dma_wait3A_740 = arith.constant 0 : i32
      %dma_wait3A_741 = arith.constant 0 : i32
      %dma_wait3A_742 = tpu.memref_slice %arg3[%dma_wait3A_740, %dma_wait3A_741] : memref<1000000x64xf32, #tpu.memory_space<hbm>> -> memref<128x64xf32, #tpu.memory_space<hbm>>
      %dma_wait3A_743 = arith.constant 0 : i32
      %dma_wait3A_744 = arith.constant 0 : i32
      %dma_wait3A_745 = tpu.memref_slice %arg6[%dma_wait3A_735, %dma_wait3A_743, %dma_wait3A_744] : memref<8x128x64xf32, #tpu.memory_space<vmem>> -> memref<1x128x64xf32, #tpu.memory_space<vmem>>
      %dma_wait3A_746 = tpu.memref_squeeze %dma_wait3A_745 : memref<1x128x64xf32, #tpu.memory_space<vmem>> -> memref<128x64xf32, #tpu.memory_space<vmem>>
      %dma_wait3A_747 = arith.constant 0 : i32
      %dma_wait3A_748 = arith.constant 0 : i32
      %dma_wait3A_749 = tpu.memref_slice %arg3[%dma_wait3A_747, %dma_wait3A_748] : memref<1000000x64xf32, #tpu.memory_space<hbm>> -> memref<128x64xf32, #tpu.memory_space<hbm>>
      tpu.wait_dma2 semaphore(%arg8 : memref<!tpu.dma_semaphore, #tpu.memory_space<semaphore_mem>>) src(%dma_wait3A_749 : memref<128x64xf32, #tpu.memory_space<hbm>>) dst(%dma_wait3A_746 : memref<128x64xf32, #tpu.memory_space<vmem>>)
      %add3A_750 = arith.constant 4 : i32
      %add3A_751 = arith.addi %add3A_449, %add3A_750 : i32
      %add3A_752 = arith.constant 4 : i32
      %add3A_753 = arith.addi %add3A_751, %add3A_752 : i32
      %mul3A_754 = arith.constant 128 : i32
      %mul3A_755 = arith.muli %add3A_753, %mul3A_754 : i32
      %dma_start3A_756 = arith.constant 4 : i32
      %dma_start3A_757 = arith.constant 0 : i32
      %dma_start3A_758 = arith.constant 0 : i32
      %dma_start3A_759 = tpu.memref_slice %arg6[%dma_start3A_756, %dma_start3A_757, %dma_start3A_758] : memref<8x128x64xf32, #tpu.memory_space<vmem>> -> memref<1x128x64xf32, #tpu.memory_space<vmem>>
      %dma_start3A_760 = tpu.memref_squeeze %dma_start3A_759 : memref<1x128x64xf32, #tpu.memory_space<vmem>> -> memref<128x64xf32, #tpu.memory_space<vmem>>
      %dma_start3A_761 = tpu.memref_slice %arg5[%mul3A_755] : memref<10240xi32, #tpu.memory_space<vmem>> -> memref<128xi32, #tpu.memory_space<vmem>>
      %dma_start3A_762 = arith.constant 0 : i32
      %dma_start3A_763 = arith.constant 0 : i32
      %dma_start3A_764 = tpu.memref_slice %arg3[%dma_start3A_762, %dma_start3A_763] : memref<1000000x64xf32, #tpu.memory_space<hbm>> -> memref<1000000x64xf32, #tpu.memory_space<hbm>>
      tpu.enqueue_indirect_dma source(%dma_start3A_764 : memref<1000000x64xf32, #tpu.memory_space<hbm>>) target(%dma_start3A_760 : memref<128x64xf32, #tpu.memory_space<vmem>>) offsets(%dma_start3A_761 : memref<128xi32, #tpu.memory_space<vmem>>) semaphore(%arg7 : memref<!tpu.dma_semaphore, #tpu.memory_space<semaphore_mem>>)
      %dma_wait3A_765 = arith.constant 1 : i32
      %dma_wait3A_766 = arith.constant 0 : i32
      %dma_wait3A_767 = arith.constant 0 : i32
      %dma_wait3A_768 = tpu.memref_slice %arg6[%dma_wait3A_765, %dma_wait3A_766, %dma_wait3A_767] : memref<8x128x64xf32, #tpu.memory_space<vmem>> -> memref<1x128x64xf32, #tpu.memory_space<vmem>>
      %dma_wait3A_769 = tpu.memref_squeeze %dma_wait3A_768 : memref<1x128x64xf32, #tpu.memory_space<vmem>> -> memref<128x64xf32, #tpu.memory_space<vmem>>
      %dma_wait3A_770 = arith.constant 0 : i32
      %dma_wait3A_771 = arith.constant 0 : i32
      %dma_wait3A_772 = tpu.memref_slice %arg3[%dma_wait3A_770, %dma_wait3A_771] : memref<1000000x64xf32, #tpu.memory_space<hbm>> -> memref<128x64xf32, #tpu.memory_space<hbm>>
      %dma_wait3A_773 = arith.constant 0 : i32
      %dma_wait3A_774 = arith.constant 0 : i32
      %dma_wait3A_775 = tpu.memref_slice %arg6[%dma_wait3A_765, %dma_wait3A_773, %dma_wait3A_774] : memref<8x128x64xf32, #tpu.memory_space<vmem>> -> memref<1x128x64xf32, #tpu.memory_space<vmem>>
      %dma_wait3A_776 = tpu.memref_squeeze %dma_wait3A_775 : memref<1x128x64xf32, #tpu.memory_space<vmem>> -> memref<128x64xf32, #tpu.memory_space<vmem>>
      %dma_wait3A_777 = arith.constant 0 : i32
      %dma_wait3A_778 = arith.constant 0 : i32
      %dma_wait3A_779 = tpu.memref_slice %arg3[%dma_wait3A_777, %dma_wait3A_778] : memref<1000000x64xf32, #tpu.memory_space<hbm>> -> memref<128x64xf32, #tpu.memory_space<hbm>>
      tpu.wait_dma2 semaphore(%arg7 : memref<!tpu.dma_semaphore, #tpu.memory_space<semaphore_mem>>) src(%dma_wait3A_779 : memref<128x64xf32, #tpu.memory_space<hbm>>) dst(%dma_wait3A_776 : memref<128x64xf32, #tpu.memory_space<vmem>>)
      %add3A_780 = arith.constant 5 : i32
      %add3A_781 = arith.addi %add3A_449, %add3A_780 : i32
      %mul3A_782 = arith.constant 128 : i32
      %mul3A_783 = arith.muli %add3A_781, %mul3A_782 : i32
      %add3A_784 = arith.addi %mul3A_2, %mul3A_783 : i32
      %dma_start3A_785 = arith.constant 1 : i32
      %dma_start3A_786 = arith.constant 0 : i32
      %dma_start3A_787 = arith.constant 0 : i32
      %dma_start3A_788 = tpu.memref_slice %arg6[%dma_start3A_785, %dma_start3A_786, %dma_start3A_787] : memref<8x128x64xf32, #tpu.memory_space<vmem>> -> memref<1x128x64xf32, #tpu.memory_space<vmem>>
      %dma_start3A_789 = tpu.memref_squeeze %dma_start3A_788 : memref<1x128x64xf32, #tpu.memory_space<vmem>> -> memref<128x64xf32, #tpu.memory_space<vmem>>
      %dma_start3A_790 = arith.constant 0 : i32
      %dma_start3A_791 = tpu.memref_slice %arg4[%add3A_784, %dma_start3A_790] : memref<327680x64xf32, #tpu.memory_space<hbm>> -> memref<128x64xf32, #tpu.memory_space<hbm>>
      %dma_start3A_792 = arith.constant 0 : i32
      %dma_start3A_793 = tpu.memref_slice %arg4[%add3A_784, %dma_start3A_792] : memref<327680x64xf32, #tpu.memory_space<hbm>> -> memref<128x64xf32, #tpu.memory_space<hbm>>
      %dma_start3A_794 = arith.constant 0 : i32
      %dma_start3A_795 = arith.constant 0 : i32
      %dma_start3A_796 = tpu.memref_slice %arg6[%dma_start3A_785, %dma_start3A_794, %dma_start3A_795] : memref<8x128x64xf32, #tpu.memory_space<vmem>> -> memref<1x128x64xf32, #tpu.memory_space<vmem>>
      %dma_start3A_797 = tpu.memref_squeeze %dma_start3A_796 : memref<1x128x64xf32, #tpu.memory_space<vmem>> -> memref<128x64xf32, #tpu.memory_space<vmem>>
      tpu.enqueue_dma source(%dma_start3A_797 : memref<128x64xf32, #tpu.memory_space<vmem>>) target(%dma_start3A_793 : memref<128x64xf32, #tpu.memory_space<hbm>>) target_semaphore(%arg8 : memref<!tpu.dma_semaphore, #tpu.memory_space<semaphore_mem>>)
      %dma_wait3A_798 = arith.constant 5 : i32
      %dma_wait3A_799 = arith.constant 0 : i32
      %dma_wait3A_800 = arith.constant 0 : i32
      %dma_wait3A_801 = tpu.memref_slice %arg6[%dma_wait3A_798, %dma_wait3A_799, %dma_wait3A_800] : memref<8x128x64xf32, #tpu.memory_space<vmem>> -> memref<1x128x64xf32, #tpu.memory_space<vmem>>
      %dma_wait3A_802 = tpu.memref_squeeze %dma_wait3A_801 : memref<1x128x64xf32, #tpu.memory_space<vmem>> -> memref<128x64xf32, #tpu.memory_space<vmem>>
      %dma_wait3A_803 = arith.constant 0 : i32
      %dma_wait3A_804 = arith.constant 0 : i32
      %dma_wait3A_805 = tpu.memref_slice %arg3[%dma_wait3A_803, %dma_wait3A_804] : memref<1000000x64xf32, #tpu.memory_space<hbm>> -> memref<128x64xf32, #tpu.memory_space<hbm>>
      %dma_wait3A_806 = arith.constant 0 : i32
      %dma_wait3A_807 = arith.constant 0 : i32
      %dma_wait3A_808 = tpu.memref_slice %arg6[%dma_wait3A_798, %dma_wait3A_806, %dma_wait3A_807] : memref<8x128x64xf32, #tpu.memory_space<vmem>> -> memref<1x128x64xf32, #tpu.memory_space<vmem>>
      %dma_wait3A_809 = tpu.memref_squeeze %dma_wait3A_808 : memref<1x128x64xf32, #tpu.memory_space<vmem>> -> memref<128x64xf32, #tpu.memory_space<vmem>>
      %dma_wait3A_810 = arith.constant 0 : i32
      %dma_wait3A_811 = arith.constant 0 : i32
      %dma_wait3A_812 = tpu.memref_slice %arg3[%dma_wait3A_810, %dma_wait3A_811] : memref<1000000x64xf32, #tpu.memory_space<hbm>> -> memref<128x64xf32, #tpu.memory_space<hbm>>
      tpu.wait_dma2 semaphore(%arg8 : memref<!tpu.dma_semaphore, #tpu.memory_space<semaphore_mem>>) src(%dma_wait3A_812 : memref<128x64xf32, #tpu.memory_space<hbm>>) dst(%dma_wait3A_809 : memref<128x64xf32, #tpu.memory_space<vmem>>)
      %add3A_813 = arith.constant 5 : i32
      %add3A_814 = arith.addi %add3A_449, %add3A_813 : i32
      %add3A_815 = arith.constant 4 : i32
      %add3A_816 = arith.addi %add3A_814, %add3A_815 : i32
      %mul3A_817 = arith.constant 128 : i32
      %mul3A_818 = arith.muli %add3A_816, %mul3A_817 : i32
      %dma_start3A_819 = arith.constant 5 : i32
      %dma_start3A_820 = arith.constant 0 : i32
      %dma_start3A_821 = arith.constant 0 : i32
      %dma_start3A_822 = tpu.memref_slice %arg6[%dma_start3A_819, %dma_start3A_820, %dma_start3A_821] : memref<8x128x64xf32, #tpu.memory_space<vmem>> -> memref<1x128x64xf32, #tpu.memory_space<vmem>>
      %dma_start3A_823 = tpu.memref_squeeze %dma_start3A_822 : memref<1x128x64xf32, #tpu.memory_space<vmem>> -> memref<128x64xf32, #tpu.memory_space<vmem>>
      %dma_start3A_824 = tpu.memref_slice %arg5[%mul3A_818] : memref<10240xi32, #tpu.memory_space<vmem>> -> memref<128xi32, #tpu.memory_space<vmem>>
      %dma_start3A_825 = arith.constant 0 : i32
      %dma_start3A_826 = arith.constant 0 : i32
      %dma_start3A_827 = tpu.memref_slice %arg3[%dma_start3A_825, %dma_start3A_826] : memref<1000000x64xf32, #tpu.memory_space<hbm>> -> memref<1000000x64xf32, #tpu.memory_space<hbm>>
      tpu.enqueue_indirect_dma source(%dma_start3A_827 : memref<1000000x64xf32, #tpu.memory_space<hbm>>) target(%dma_start3A_823 : memref<128x64xf32, #tpu.memory_space<vmem>>) offsets(%dma_start3A_824 : memref<128xi32, #tpu.memory_space<vmem>>) semaphore(%arg7 : memref<!tpu.dma_semaphore, #tpu.memory_space<semaphore_mem>>)
      %dma_wait3A_828 = arith.constant 2 : i32
      %dma_wait3A_829 = arith.constant 0 : i32
      %dma_wait3A_830 = arith.constant 0 : i32
      %dma_wait3A_831 = tpu.memref_slice %arg6[%dma_wait3A_828, %dma_wait3A_829, %dma_wait3A_830] : memref<8x128x64xf32, #tpu.memory_space<vmem>> -> memref<1x128x64xf32, #tpu.memory_space<vmem>>
      %dma_wait3A_832 = tpu.memref_squeeze %dma_wait3A_831 : memref<1x128x64xf32, #tpu.memory_space<vmem>> -> memref<128x64xf32, #tpu.memory_space<vmem>>
      %dma_wait3A_833 = arith.constant 0 : i32
      %dma_wait3A_834 = arith.constant 0 : i32
      %dma_wait3A_835 = tpu.memref_slice %arg3[%dma_wait3A_833, %dma_wait3A_834] : memref<1000000x64xf32, #tpu.memory_space<hbm>> -> memref<128x64xf32, #tpu.memory_space<hbm>>
      %dma_wait3A_836 = arith.constant 0 : i32
      %dma_wait3A_837 = arith.constant 0 : i32
      %dma_wait3A_838 = tpu.memref_slice %arg6[%dma_wait3A_828, %dma_wait3A_836, %dma_wait3A_837] : memref<8x128x64xf32, #tpu.memory_space<vmem>> -> memref<1x128x64xf32, #tpu.memory_space<vmem>>
      %dma_wait3A_839 = tpu.memref_squeeze %dma_wait3A_838 : memref<1x128x64xf32, #tpu.memory_space<vmem>> -> memref<128x64xf32, #tpu.memory_space<vmem>>
      %dma_wait3A_840 = arith.constant 0 : i32
      %dma_wait3A_841 = arith.constant 0 : i32
      %dma_wait3A_842 = tpu.memref_slice %arg3[%dma_wait3A_840, %dma_wait3A_841] : memref<1000000x64xf32, #tpu.memory_space<hbm>> -> memref<128x64xf32, #tpu.memory_space<hbm>>
      tpu.wait_dma2 semaphore(%arg7 : memref<!tpu.dma_semaphore, #tpu.memory_space<semaphore_mem>>) src(%dma_wait3A_842 : memref<128x64xf32, #tpu.memory_space<hbm>>) dst(%dma_wait3A_839 : memref<128x64xf32, #tpu.memory_space<vmem>>)
      %add3A_843 = arith.constant 6 : i32
      %add3A_844 = arith.addi %add3A_449, %add3A_843 : i32
      %mul3A_845 = arith.constant 128 : i32
      %mul3A_846 = arith.muli %add3A_844, %mul3A_845 : i32
      %add3A_847 = arith.addi %mul3A_2, %mul3A_846 : i32
      %dma_start3A_848 = arith.constant 2 : i32
      %dma_start3A_849 = arith.constant 0 : i32
      %dma_start3A_850 = arith.constant 0 : i32
      %dma_start3A_851 = tpu.memref_slice %arg6[%dma_start3A_848, %dma_start3A_849, %dma_start3A_850] : memref<8x128x64xf32, #tpu.memory_space<vmem>> -> memref<1x128x64xf32, #tpu.memory_space<vmem>>
      %dma_start3A_852 = tpu.memref_squeeze %dma_start3A_851 : memref<1x128x64xf32, #tpu.memory_space<vmem>> -> memref<128x64xf32, #tpu.memory_space<vmem>>
      %dma_start3A_853 = arith.constant 0 : i32
      %dma_start3A_854 = tpu.memref_slice %arg4[%add3A_847, %dma_start3A_853] : memref<327680x64xf32, #tpu.memory_space<hbm>> -> memref<128x64xf32, #tpu.memory_space<hbm>>
      %dma_start3A_855 = arith.constant 0 : i32
      %dma_start3A_856 = tpu.memref_slice %arg4[%add3A_847, %dma_start3A_855] : memref<327680x64xf32, #tpu.memory_space<hbm>> -> memref<128x64xf32, #tpu.memory_space<hbm>>
      %dma_start3A_857 = arith.constant 0 : i32
      %dma_start3A_858 = arith.constant 0 : i32
      %dma_start3A_859 = tpu.memref_slice %arg6[%dma_start3A_848, %dma_start3A_857, %dma_start3A_858] : memref<8x128x64xf32, #tpu.memory_space<vmem>> -> memref<1x128x64xf32, #tpu.memory_space<vmem>>
      %dma_start3A_860 = tpu.memref_squeeze %dma_start3A_859 : memref<1x128x64xf32, #tpu.memory_space<vmem>> -> memref<128x64xf32, #tpu.memory_space<vmem>>
      tpu.enqueue_dma source(%dma_start3A_860 : memref<128x64xf32, #tpu.memory_space<vmem>>) target(%dma_start3A_856 : memref<128x64xf32, #tpu.memory_space<hbm>>) target_semaphore(%arg8 : memref<!tpu.dma_semaphore, #tpu.memory_space<semaphore_mem>>)
      %dma_wait3A_861 = arith.constant 6 : i32
      %dma_wait3A_862 = arith.constant 0 : i32
      %dma_wait3A_863 = arith.constant 0 : i32
      %dma_wait3A_864 = tpu.memref_slice %arg6[%dma_wait3A_861, %dma_wait3A_862, %dma_wait3A_863] : memref<8x128x64xf32, #tpu.memory_space<vmem>> -> memref<1x128x64xf32, #tpu.memory_space<vmem>>
      %dma_wait3A_865 = tpu.memref_squeeze %dma_wait3A_864 : memref<1x128x64xf32, #tpu.memory_space<vmem>> -> memref<128x64xf32, #tpu.memory_space<vmem>>
      %dma_wait3A_866 = arith.constant 0 : i32
      %dma_wait3A_867 = arith.constant 0 : i32
      %dma_wait3A_868 = tpu.memref_slice %arg3[%dma_wait3A_866, %dma_wait3A_867] : memref<1000000x64xf32, #tpu.memory_space<hbm>> -> memref<128x64xf32, #tpu.memory_space<hbm>>
      %dma_wait3A_869 = arith.constant 0 : i32
      %dma_wait3A_870 = arith.constant 0 : i32
      %dma_wait3A_871 = tpu.memref_slice %arg6[%dma_wait3A_861, %dma_wait3A_869, %dma_wait3A_870] : memref<8x128x64xf32, #tpu.memory_space<vmem>> -> memref<1x128x64xf32, #tpu.memory_space<vmem>>
      %dma_wait3A_872 = tpu.memref_squeeze %dma_wait3A_871 : memref<1x128x64xf32, #tpu.memory_space<vmem>> -> memref<128x64xf32, #tpu.memory_space<vmem>>
      %dma_wait3A_873 = arith.constant 0 : i32
      %dma_wait3A_874 = arith.constant 0 : i32
      %dma_wait3A_875 = tpu.memref_slice %arg3[%dma_wait3A_873, %dma_wait3A_874] : memref<1000000x64xf32, #tpu.memory_space<hbm>> -> memref<128x64xf32, #tpu.memory_space<hbm>>
      tpu.wait_dma2 semaphore(%arg8 : memref<!tpu.dma_semaphore, #tpu.memory_space<semaphore_mem>>) src(%dma_wait3A_875 : memref<128x64xf32, #tpu.memory_space<hbm>>) dst(%dma_wait3A_872 : memref<128x64xf32, #tpu.memory_space<vmem>>)
      %add3A_876 = arith.constant 6 : i32
      %add3A_877 = arith.addi %add3A_449, %add3A_876 : i32
      %add3A_878 = arith.constant 4 : i32
      %add3A_879 = arith.addi %add3A_877, %add3A_878 : i32
      %mul3A_880 = arith.constant 128 : i32
      %mul3A_881 = arith.muli %add3A_879, %mul3A_880 : i32
      %dma_start3A_882 = arith.constant 6 : i32
      %dma_start3A_883 = arith.constant 0 : i32
      %dma_start3A_884 = arith.constant 0 : i32
      %dma_start3A_885 = tpu.memref_slice %arg6[%dma_start3A_882, %dma_start3A_883, %dma_start3A_884] : memref<8x128x64xf32, #tpu.memory_space<vmem>> -> memref<1x128x64xf32, #tpu.memory_space<vmem>>
      %dma_start3A_886 = tpu.memref_squeeze %dma_start3A_885 : memref<1x128x64xf32, #tpu.memory_space<vmem>> -> memref<128x64xf32, #tpu.memory_space<vmem>>
      %dma_start3A_887 = tpu.memref_slice %arg5[%mul3A_881] : memref<10240xi32, #tpu.memory_space<vmem>> -> memref<128xi32, #tpu.memory_space<vmem>>
      %dma_start3A_888 = arith.constant 0 : i32
      %dma_start3A_889 = arith.constant 0 : i32
      %dma_start3A_890 = tpu.memref_slice %arg3[%dma_start3A_888, %dma_start3A_889] : memref<1000000x64xf32, #tpu.memory_space<hbm>> -> memref<1000000x64xf32, #tpu.memory_space<hbm>>
      tpu.enqueue_indirect_dma source(%dma_start3A_890 : memref<1000000x64xf32, #tpu.memory_space<hbm>>) target(%dma_start3A_886 : memref<128x64xf32, #tpu.memory_space<vmem>>) offsets(%dma_start3A_887 : memref<128xi32, #tpu.memory_space<vmem>>) semaphore(%arg7 : memref<!tpu.dma_semaphore, #tpu.memory_space<semaphore_mem>>)
      %dma_wait3A_891 = arith.constant 3 : i32
      %dma_wait3A_892 = arith.constant 0 : i32
      %dma_wait3A_893 = arith.constant 0 : i32
      %dma_wait3A_894 = tpu.memref_slice %arg6[%dma_wait3A_891, %dma_wait3A_892, %dma_wait3A_893] : memref<8x128x64xf32, #tpu.memory_space<vmem>> -> memref<1x128x64xf32, #tpu.memory_space<vmem>>
      %dma_wait3A_895 = tpu.memref_squeeze %dma_wait3A_894 : memref<1x128x64xf32, #tpu.memory_space<vmem>> -> memref<128x64xf32, #tpu.memory_space<vmem>>
      %dma_wait3A_896 = arith.constant 0 : i32
      %dma_wait3A_897 = arith.constant 0 : i32
      %dma_wait3A_898 = tpu.memref_slice %arg3[%dma_wait3A_896, %dma_wait3A_897] : memref<1000000x64xf32, #tpu.memory_space<hbm>> -> memref<128x64xf32, #tpu.memory_space<hbm>>
      %dma_wait3A_899 = arith.constant 0 : i32
      %dma_wait3A_900 = arith.constant 0 : i32
      %dma_wait3A_901 = tpu.memref_slice %arg6[%dma_wait3A_891, %dma_wait3A_899, %dma_wait3A_900] : memref<8x128x64xf32, #tpu.memory_space<vmem>> -> memref<1x128x64xf32, #tpu.memory_space<vmem>>
      %dma_wait3A_902 = tpu.memref_squeeze %dma_wait3A_901 : memref<1x128x64xf32, #tpu.memory_space<vmem>> -> memref<128x64xf32, #tpu.memory_space<vmem>>
      %dma_wait3A_903 = arith.constant 0 : i32
      %dma_wait3A_904 = arith.constant 0 : i32
      %dma_wait3A_905 = tpu.memref_slice %arg3[%dma_wait3A_903, %dma_wait3A_904] : memref<1000000x64xf32, #tpu.memory_space<hbm>> -> memref<128x64xf32, #tpu.memory_space<hbm>>
      tpu.wait_dma2 semaphore(%arg7 : memref<!tpu.dma_semaphore, #tpu.memory_space<semaphore_mem>>) src(%dma_wait3A_905 : memref<128x64xf32, #tpu.memory_space<hbm>>) dst(%dma_wait3A_902 : memref<128x64xf32, #tpu.memory_space<vmem>>)
      %add3A_906 = arith.constant 7 : i32
      %add3A_907 = arith.addi %add3A_449, %add3A_906 : i32
      %mul3A_908 = arith.constant 128 : i32
      %mul3A_909 = arith.muli %add3A_907, %mul3A_908 : i32
      %add3A_910 = arith.addi %mul3A_2, %mul3A_909 : i32
      %dma_start3A_911 = arith.constant 3 : i32
      %dma_start3A_912 = arith.constant 0 : i32
      %dma_start3A_913 = arith.constant 0 : i32
      %dma_start3A_914 = tpu.memref_slice %arg6[%dma_start3A_911, %dma_start3A_912, %dma_start3A_913] : memref<8x128x64xf32, #tpu.memory_space<vmem>> -> memref<1x128x64xf32, #tpu.memory_space<vmem>>
      %dma_start3A_915 = tpu.memref_squeeze %dma_start3A_914 : memref<1x128x64xf32, #tpu.memory_space<vmem>> -> memref<128x64xf32, #tpu.memory_space<vmem>>
      %dma_start3A_916 = arith.constant 0 : i32
      %dma_start3A_917 = tpu.memref_slice %arg4[%add3A_910, %dma_start3A_916] : memref<327680x64xf32, #tpu.memory_space<hbm>> -> memref<128x64xf32, #tpu.memory_space<hbm>>
      %dma_start3A_918 = arith.constant 0 : i32
      %dma_start3A_919 = tpu.memref_slice %arg4[%add3A_910, %dma_start3A_918] : memref<327680x64xf32, #tpu.memory_space<hbm>> -> memref<128x64xf32, #tpu.memory_space<hbm>>
      %dma_start3A_920 = arith.constant 0 : i32
      %dma_start3A_921 = arith.constant 0 : i32
      %dma_start3A_922 = tpu.memref_slice %arg6[%dma_start3A_911, %dma_start3A_920, %dma_start3A_921] : memref<8x128x64xf32, #tpu.memory_space<vmem>> -> memref<1x128x64xf32, #tpu.memory_space<vmem>>
      %dma_start3A_923 = tpu.memref_squeeze %dma_start3A_922 : memref<1x128x64xf32, #tpu.memory_space<vmem>> -> memref<128x64xf32, #tpu.memory_space<vmem>>
      tpu.enqueue_dma source(%dma_start3A_923 : memref<128x64xf32, #tpu.memory_space<vmem>>) target(%dma_start3A_919 : memref<128x64xf32, #tpu.memory_space<hbm>>) target_semaphore(%arg8 : memref<!tpu.dma_semaphore, #tpu.memory_space<semaphore_mem>>)
      %dma_wait3A_924 = arith.constant 7 : i32
      %dma_wait3A_925 = arith.constant 0 : i32
      %dma_wait3A_926 = arith.constant 0 : i32
      %dma_wait3A_927 = tpu.memref_slice %arg6[%dma_wait3A_924, %dma_wait3A_925, %dma_wait3A_926] : memref<8x128x64xf32, #tpu.memory_space<vmem>> -> memref<1x128x64xf32, #tpu.memory_space<vmem>>
      %dma_wait3A_928 = tpu.memref_squeeze %dma_wait3A_927 : memref<1x128x64xf32, #tpu.memory_space<vmem>> -> memref<128x64xf32, #tpu.memory_space<vmem>>
      %dma_wait3A_929 = arith.constant 0 : i32
      %dma_wait3A_930 = arith.constant 0 : i32
      %dma_wait3A_931 = tpu.memref_slice %arg3[%dma_wait3A_929, %dma_wait3A_930] : memref<1000000x64xf32, #tpu.memory_space<hbm>> -> memref<128x64xf32, #tpu.memory_space<hbm>>
      %dma_wait3A_932 = arith.constant 0 : i32
      %dma_wait3A_933 = arith.constant 0 : i32
      %dma_wait3A_934 = tpu.memref_slice %arg6[%dma_wait3A_924, %dma_wait3A_932, %dma_wait3A_933] : memref<8x128x64xf32, #tpu.memory_space<vmem>> -> memref<1x128x64xf32, #tpu.memory_space<vmem>>
      %dma_wait3A_935 = tpu.memref_squeeze %dma_wait3A_934 : memref<1x128x64xf32, #tpu.memory_space<vmem>> -> memref<128x64xf32, #tpu.memory_space<vmem>>
      %dma_wait3A_936 = arith.constant 0 : i32
      %dma_wait3A_937 = arith.constant 0 : i32
      %dma_wait3A_938 = tpu.memref_slice %arg3[%dma_wait3A_936, %dma_wait3A_937] : memref<1000000x64xf32, #tpu.memory_space<hbm>> -> memref<128x64xf32, #tpu.memory_space<hbm>>
      tpu.wait_dma2 semaphore(%arg8 : memref<!tpu.dma_semaphore, #tpu.memory_space<semaphore_mem>>) src(%dma_wait3A_938 : memref<128x64xf32, #tpu.memory_space<hbm>>) dst(%dma_wait3A_935 : memref<128x64xf32, #tpu.memory_space<vmem>>)
      %add3A_939 = arith.constant 7 : i32
      %add3A_940 = arith.addi %add3A_449, %add3A_939 : i32
      %add3A_941 = arith.constant 4 : i32
      %add3A_942 = arith.addi %add3A_940, %add3A_941 : i32
      %mul3A_943 = arith.constant 128 : i32
      %mul3A_944 = arith.muli %add3A_942, %mul3A_943 : i32
      %dma_start3A_945 = arith.constant 7 : i32
      %dma_start3A_946 = arith.constant 0 : i32
      %dma_start3A_947 = arith.constant 0 : i32
      %dma_start3A_948 = tpu.memref_slice %arg6[%dma_start3A_945, %dma_start3A_946, %dma_start3A_947] : memref<8x128x64xf32, #tpu.memory_space<vmem>> -> memref<1x128x64xf32, #tpu.memory_space<vmem>>
      %dma_start3A_949 = tpu.memref_squeeze %dma_start3A_948 : memref<1x128x64xf32, #tpu.memory_space<vmem>> -> memref<128x64xf32, #tpu.memory_space<vmem>>
      %dma_start3A_950 = tpu.memref_slice %arg5[%mul3A_944] : memref<10240xi32, #tpu.memory_space<vmem>> -> memref<128xi32, #tpu.memory_space<vmem>>
      %dma_start3A_951 = arith.constant 0 : i32
      %dma_start3A_952 = arith.constant 0 : i32
      %dma_start3A_953 = tpu.memref_slice %arg3[%dma_start3A_951, %dma_start3A_952] : memref<1000000x64xf32, #tpu.memory_space<hbm>> -> memref<1000000x64xf32, #tpu.memory_space<hbm>>
      tpu.enqueue_indirect_dma source(%dma_start3A_953 : memref<1000000x64xf32, #tpu.memory_space<hbm>>) target(%dma_start3A_949 : memref<128x64xf32, #tpu.memory_space<vmem>>) offsets(%dma_start3A_950 : memref<128xi32, #tpu.memory_space<vmem>>) semaphore(%arg7 : memref<!tpu.dma_semaphore, #tpu.memory_space<semaphore_mem>>)
    }
    %scan3A_204 = arith.constant 9 : i32
    %dma_wait3A_205 = arith.constant 4 : i32
    %dma_wait3A_206 = arith.constant 0 : i32
    %dma_wait3A_207 = arith.constant 0 : i32
    %dma_wait3A_208 = tpu.memref_slice %arg6[%dma_wait3A_205, %dma_wait3A_206, %dma_wait3A_207] : memref<8x128x64xf32, #tpu.memory_space<vmem>> -> memref<1x128x64xf32, #tpu.memory_space<vmem>>
    %dma_wait3A_209 = tpu.memref_squeeze %dma_wait3A_208 : memref<1x128x64xf32, #tpu.memory_space<vmem>> -> memref<128x64xf32, #tpu.memory_space<vmem>>
    %dma_wait3A_210 = arith.constant 0 : i32
    %dma_wait3A_211 = arith.constant 0 : i32
    %dma_wait3A_212 = tpu.memref_slice %arg3[%dma_wait3A_210, %dma_wait3A_211] : memref<1000000x64xf32, #tpu.memory_space<hbm>> -> memref<128x64xf32, #tpu.memory_space<hbm>>
    %dma_wait3A_213 = arith.constant 0 : i32
    %dma_wait3A_214 = arith.constant 0 : i32
    %dma_wait3A_215 = tpu.memref_slice %arg6[%dma_wait3A_205, %dma_wait3A_213, %dma_wait3A_214] : memref<8x128x64xf32, #tpu.memory_space<vmem>> -> memref<1x128x64xf32, #tpu.memory_space<vmem>>
    %dma_wait3A_216 = tpu.memref_squeeze %dma_wait3A_215 : memref<1x128x64xf32, #tpu.memory_space<vmem>> -> memref<128x64xf32, #tpu.memory_space<vmem>>
    %dma_wait3A_217 = arith.constant 0 : i32
    %dma_wait3A_218 = arith.constant 0 : i32
    %dma_wait3A_219 = tpu.memref_slice %arg3[%dma_wait3A_217, %dma_wait3A_218] : memref<1000000x64xf32, #tpu.memory_space<hbm>> -> memref<128x64xf32, #tpu.memory_space<hbm>>
    tpu.wait_dma2 semaphore(%arg7 : memref<!tpu.dma_semaphore, #tpu.memory_space<semaphore_mem>>) src(%dma_wait3A_219 : memref<128x64xf32, #tpu.memory_space<hbm>>) dst(%dma_wait3A_216 : memref<128x64xf32, #tpu.memory_space<vmem>>)
    %add3A_220 = arith.constant 9728 : i32
    %add3A_221 = arith.addi %mul3A_2, %add3A_220 : i32
    %dma_start3A_222 = arith.constant 4 : i32
    %dma_start3A_223 = arith.constant 0 : i32
    %dma_start3A_224 = arith.constant 0 : i32
    %dma_start3A_225 = tpu.memref_slice %arg6[%dma_start3A_222, %dma_start3A_223, %dma_start3A_224] : memref<8x128x64xf32, #tpu.memory_space<vmem>> -> memref<1x128x64xf32, #tpu.memory_space<vmem>>
    %dma_start3A_226 = tpu.memref_squeeze %dma_start3A_225 : memref<1x128x64xf32, #tpu.memory_space<vmem>> -> memref<128x64xf32, #tpu.memory_space<vmem>>
    %dma_start3A_227 = arith.constant 0 : i32
    %dma_start3A_228 = tpu.memref_slice %arg4[%add3A_221, %dma_start3A_227] : memref<327680x64xf32, #tpu.memory_space<hbm>> -> memref<128x64xf32, #tpu.memory_space<hbm>>
    %dma_start3A_229 = arith.constant 0 : i32
    %dma_start3A_230 = tpu.memref_slice %arg4[%add3A_221, %dma_start3A_229] : memref<327680x64xf32, #tpu.memory_space<hbm>> -> memref<128x64xf32, #tpu.memory_space<hbm>>
    %dma_start3A_231 = arith.constant 0 : i32
    %dma_start3A_232 = arith.constant 0 : i32
    %dma_start3A_233 = tpu.memref_slice %arg6[%dma_start3A_222, %dma_start3A_231, %dma_start3A_232] : memref<8x128x64xf32, #tpu.memory_space<vmem>> -> memref<1x128x64xf32, #tpu.memory_space<vmem>>
    %dma_start3A_234 = tpu.memref_squeeze %dma_start3A_233 : memref<1x128x64xf32, #tpu.memory_space<vmem>> -> memref<128x64xf32, #tpu.memory_space<vmem>>
    tpu.enqueue_dma source(%dma_start3A_234 : memref<128x64xf32, #tpu.memory_space<vmem>>) target(%dma_start3A_230 : memref<128x64xf32, #tpu.memory_space<hbm>>) target_semaphore(%arg8 : memref<!tpu.dma_semaphore, #tpu.memory_space<semaphore_mem>>)
    %dma_wait3A_235 = arith.constant 0 : i32
    %dma_wait3A_236 = arith.constant 0 : i32
    %dma_wait3A_237 = arith.constant 0 : i32
    %dma_wait3A_238 = tpu.memref_slice %arg6[%dma_wait3A_235, %dma_wait3A_236, %dma_wait3A_237] : memref<8x128x64xf32, #tpu.memory_space<vmem>> -> memref<1x128x64xf32, #tpu.memory_space<vmem>>
    %dma_wait3A_239 = tpu.memref_squeeze %dma_wait3A_238 : memref<1x128x64xf32, #tpu.memory_space<vmem>> -> memref<128x64xf32, #tpu.memory_space<vmem>>
    %dma_wait3A_240 = arith.constant 0 : i32
    %dma_wait3A_241 = arith.constant 0 : i32
    %dma_wait3A_242 = tpu.memref_slice %arg3[%dma_wait3A_240, %dma_wait3A_241] : memref<1000000x64xf32, #tpu.memory_space<hbm>> -> memref<128x64xf32, #tpu.memory_space<hbm>>
    %dma_wait3A_243 = arith.constant 0 : i32
    %dma_wait3A_244 = arith.constant 0 : i32
    %dma_wait3A_245 = tpu.memref_slice %arg6[%dma_wait3A_235, %dma_wait3A_243, %dma_wait3A_244] : memref<8x128x64xf32, #tpu.memory_space<vmem>> -> memref<1x128x64xf32, #tpu.memory_space<vmem>>
    %dma_wait3A_246 = tpu.memref_squeeze %dma_wait3A_245 : memref<1x128x64xf32, #tpu.memory_space<vmem>> -> memref<128x64xf32, #tpu.memory_space<vmem>>
    %dma_wait3A_247 = arith.constant 0 : i32
    %dma_wait3A_248 = arith.constant 0 : i32
    %dma_wait3A_249 = tpu.memref_slice %arg3[%dma_wait3A_247, %dma_wait3A_248] : memref<1000000x64xf32, #tpu.memory_space<hbm>> -> memref<128x64xf32, #tpu.memory_space<hbm>>
    tpu.wait_dma2 semaphore(%arg8 : memref<!tpu.dma_semaphore, #tpu.memory_space<semaphore_mem>>) src(%dma_wait3A_249 : memref<128x64xf32, #tpu.memory_space<hbm>>) dst(%dma_wait3A_246 : memref<128x64xf32, #tpu.memory_space<vmem>>)
    %dma_wait3A_250 = arith.constant 5 : i32
    %dma_wait3A_251 = arith.constant 0 : i32
    %dma_wait3A_252 = arith.constant 0 : i32
    %dma_wait3A_253 = tpu.memref_slice %arg6[%dma_wait3A_250, %dma_wait3A_251, %dma_wait3A_252] : memref<8x128x64xf32, #tpu.memory_space<vmem>> -> memref<1x128x64xf32, #tpu.memory_space<vmem>>
    %dma_wait3A_254 = tpu.memref_squeeze %dma_wait3A_253 : memref<1x128x64xf32, #tpu.memory_space<vmem>> -> memref<128x64xf32, #tpu.memory_space<vmem>>
    %dma_wait3A_255 = arith.constant 0 : i32
    %dma_wait3A_256 = arith.constant 0 : i32
    %dma_wait3A_257 = tpu.memref_slice %arg3[%dma_wait3A_255, %dma_wait3A_256] : memref<1000000x64xf32, #tpu.memory_space<hbm>> -> memref<128x64xf32, #tpu.memory_space<hbm>>
    %dma_wait3A_258 = arith.constant 0 : i32
    %dma_wait3A_259 = arith.constant 0 : i32
    %dma_wait3A_260 = tpu.memref_slice %arg6[%dma_wait3A_250, %dma_wait3A_258, %dma_wait3A_259] : memref<8x128x64xf32, #tpu.memory_space<vmem>> -> memref<1x128x64xf32, #tpu.memory_space<vmem>>
    %dma_wait3A_261 = tpu.memref_squeeze %dma_wait3A_260 : memref<1x128x64xf32, #tpu.memory_space<vmem>> -> memref<128x64xf32, #tpu.memory_space<vmem>>
    %dma_wait3A_262 = arith.constant 0 : i32
    %dma_wait3A_263 = arith.constant 0 : i32
    %dma_wait3A_264 = tpu.memref_slice %arg3[%dma_wait3A_262, %dma_wait3A_263] : memref<1000000x64xf32, #tpu.memory_space<hbm>> -> memref<128x64xf32, #tpu.memory_space<hbm>>
    tpu.wait_dma2 semaphore(%arg7 : memref<!tpu.dma_semaphore, #tpu.memory_space<semaphore_mem>>) src(%dma_wait3A_264 : memref<128x64xf32, #tpu.memory_space<hbm>>) dst(%dma_wait3A_261 : memref<128x64xf32, #tpu.memory_space<vmem>>)
    %add3A_265 = arith.constant 9856 : i32
    %add3A_266 = arith.addi %mul3A_2, %add3A_265 : i32
    %dma_start3A_267 = arith.constant 5 : i32
    %dma_start3A_268 = arith.constant 0 : i32
    %dma_start3A_269 = arith.constant 0 : i32
    %dma_start3A_270 = tpu.memref_slice %arg6[%dma_start3A_267, %dma_start3A_268, %dma_start3A_269] : memref<8x128x64xf32, #tpu.memory_space<vmem>> -> memref<1x128x64xf32, #tpu.memory_space<vmem>>
    %dma_start3A_271 = tpu.memref_squeeze %dma_start3A_270 : memref<1x128x64xf32, #tpu.memory_space<vmem>> -> memref<128x64xf32, #tpu.memory_space<vmem>>
    %dma_start3A_272 = arith.constant 0 : i32
    %dma_start3A_273 = tpu.memref_slice %arg4[%add3A_266, %dma_start3A_272] : memref<327680x64xf32, #tpu.memory_space<hbm>> -> memref<128x64xf32, #tpu.memory_space<hbm>>
    %dma_start3A_274 = arith.constant 0 : i32
    %dma_start3A_275 = tpu.memref_slice %arg4[%add3A_266, %dma_start3A_274] : memref<327680x64xf32, #tpu.memory_space<hbm>> -> memref<128x64xf32, #tpu.memory_space<hbm>>
    %dma_start3A_276 = arith.constant 0 : i32
    %dma_start3A_277 = arith.constant 0 : i32
    %dma_start3A_278 = tpu.memref_slice %arg6[%dma_start3A_267, %dma_start3A_276, %dma_start3A_277] : memref<8x128x64xf32, #tpu.memory_space<vmem>> -> memref<1x128x64xf32, #tpu.memory_space<vmem>>
    %dma_start3A_279 = tpu.memref_squeeze %dma_start3A_278 : memref<1x128x64xf32, #tpu.memory_space<vmem>> -> memref<128x64xf32, #tpu.memory_space<vmem>>
    tpu.enqueue_dma source(%dma_start3A_279 : memref<128x64xf32, #tpu.memory_space<vmem>>) target(%dma_start3A_275 : memref<128x64xf32, #tpu.memory_space<hbm>>) target_semaphore(%arg8 : memref<!tpu.dma_semaphore, #tpu.memory_space<semaphore_mem>>)
    %dma_wait3A_280 = arith.constant 1 : i32
    %dma_wait3A_281 = arith.constant 0 : i32
    %dma_wait3A_282 = arith.constant 0 : i32
    %dma_wait3A_283 = tpu.memref_slice %arg6[%dma_wait3A_280, %dma_wait3A_281, %dma_wait3A_282] : memref<8x128x64xf32, #tpu.memory_space<vmem>> -> memref<1x128x64xf32, #tpu.memory_space<vmem>>
    %dma_wait3A_284 = tpu.memref_squeeze %dma_wait3A_283 : memref<1x128x64xf32, #tpu.memory_space<vmem>> -> memref<128x64xf32, #tpu.memory_space<vmem>>
    %dma_wait3A_285 = arith.constant 0 : i32
    %dma_wait3A_286 = arith.constant 0 : i32
    %dma_wait3A_287 = tpu.memref_slice %arg3[%dma_wait3A_285, %dma_wait3A_286] : memref<1000000x64xf32, #tpu.memory_space<hbm>> -> memref<128x64xf32, #tpu.memory_space<hbm>>
    %dma_wait3A_288 = arith.constant 0 : i32
    %dma_wait3A_289 = arith.constant 0 : i32
    %dma_wait3A_290 = tpu.memref_slice %arg6[%dma_wait3A_280, %dma_wait3A_288, %dma_wait3A_289] : memref<8x128x64xf32, #tpu.memory_space<vmem>> -> memref<1x128x64xf32, #tpu.memory_space<vmem>>
    %dma_wait3A_291 = tpu.memref_squeeze %dma_wait3A_290 : memref<1x128x64xf32, #tpu.memory_space<vmem>> -> memref<128x64xf32, #tpu.memory_space<vmem>>
    %dma_wait3A_292 = arith.constant 0 : i32
    %dma_wait3A_293 = arith.constant 0 : i32
    %dma_wait3A_294 = tpu.memref_slice %arg3[%dma_wait3A_292, %dma_wait3A_293] : memref<1000000x64xf32, #tpu.memory_space<hbm>> -> memref<128x64xf32, #tpu.memory_space<hbm>>
    tpu.wait_dma2 semaphore(%arg8 : memref<!tpu.dma_semaphore, #tpu.memory_space<semaphore_mem>>) src(%dma_wait3A_294 : memref<128x64xf32, #tpu.memory_space<hbm>>) dst(%dma_wait3A_291 : memref<128x64xf32, #tpu.memory_space<vmem>>)
    %dma_wait3A_295 = arith.constant 6 : i32
    %dma_wait3A_296 = arith.constant 0 : i32
    %dma_wait3A_297 = arith.constant 0 : i32
    %dma_wait3A_298 = tpu.memref_slice %arg6[%dma_wait3A_295, %dma_wait3A_296, %dma_wait3A_297] : memref<8x128x64xf32, #tpu.memory_space<vmem>> -> memref<1x128x64xf32, #tpu.memory_space<vmem>>
    %dma_wait3A_299 = tpu.memref_squeeze %dma_wait3A_298 : memref<1x128x64xf32, #tpu.memory_space<vmem>> -> memref<128x64xf32, #tpu.memory_space<vmem>>
    %dma_wait3A_300 = arith.constant 0 : i32
    %dma_wait3A_301 = arith.constant 0 : i32
    %dma_wait3A_302 = tpu.memref_slice %arg3[%dma_wait3A_300, %dma_wait3A_301] : memref<1000000x64xf32, #tpu.memory_space<hbm>> -> memref<128x64xf32, #tpu.memory_space<hbm>>
    %dma_wait3A_303 = arith.constant 0 : i32
    %dma_wait3A_304 = arith.constant 0 : i32
    %dma_wait3A_305 = tpu.memref_slice %arg6[%dma_wait3A_295, %dma_wait3A_303, %dma_wait3A_304] : memref<8x128x64xf32, #tpu.memory_space<vmem>> -> memref<1x128x64xf32, #tpu.memory_space<vmem>>
    %dma_wait3A_306 = tpu.memref_squeeze %dma_wait3A_305 : memref<1x128x64xf32, #tpu.memory_space<vmem>> -> memref<128x64xf32, #tpu.memory_space<vmem>>
    %dma_wait3A_307 = arith.constant 0 : i32
    %dma_wait3A_308 = arith.constant 0 : i32
    %dma_wait3A_309 = tpu.memref_slice %arg3[%dma_wait3A_307, %dma_wait3A_308] : memref<1000000x64xf32, #tpu.memory_space<hbm>> -> memref<128x64xf32, #tpu.memory_space<hbm>>
    tpu.wait_dma2 semaphore(%arg7 : memref<!tpu.dma_semaphore, #tpu.memory_space<semaphore_mem>>) src(%dma_wait3A_309 : memref<128x64xf32, #tpu.memory_space<hbm>>) dst(%dma_wait3A_306 : memref<128x64xf32, #tpu.memory_space<vmem>>)
    %add3A_310 = arith.constant 9984 : i32
    %add3A_311 = arith.addi %mul3A_2, %add3A_310 : i32
    %dma_start3A_312 = arith.constant 6 : i32
    %dma_start3A_313 = arith.constant 0 : i32
    %dma_start3A_314 = arith.constant 0 : i32
    %dma_start3A_315 = tpu.memref_slice %arg6[%dma_start3A_312, %dma_start3A_313, %dma_start3A_314] : memref<8x128x64xf32, #tpu.memory_space<vmem>> -> memref<1x128x64xf32, #tpu.memory_space<vmem>>
    %dma_start3A_316 = tpu.memref_squeeze %dma_start3A_315 : memref<1x128x64xf32, #tpu.memory_space<vmem>> -> memref<128x64xf32, #tpu.memory_space<vmem>>
    %dma_start3A_317 = arith.constant 0 : i32
    %dma_start3A_318 = tpu.memref_slice %arg4[%add3A_311, %dma_start3A_317] : memref<327680x64xf32, #tpu.memory_space<hbm>> -> memref<128x64xf32, #tpu.memory_space<hbm>>
    %dma_start3A_319 = arith.constant 0 : i32
    %dma_start3A_320 = tpu.memref_slice %arg4[%add3A_311, %dma_start3A_319] : memref<327680x64xf32, #tpu.memory_space<hbm>> -> memref<128x64xf32, #tpu.memory_space<hbm>>
    %dma_start3A_321 = arith.constant 0 : i32
    %dma_start3A_322 = arith.constant 0 : i32
    %dma_start3A_323 = tpu.memref_slice %arg6[%dma_start3A_312, %dma_start3A_321, %dma_start3A_322] : memref<8x128x64xf32, #tpu.memory_space<vmem>> -> memref<1x128x64xf32, #tpu.memory_space<vmem>>
    %dma_start3A_324 = tpu.memref_squeeze %dma_start3A_323 : memref<1x128x64xf32, #tpu.memory_space<vmem>> -> memref<128x64xf32, #tpu.memory_space<vmem>>
    tpu.enqueue_dma source(%dma_start3A_324 : memref<128x64xf32, #tpu.memory_space<vmem>>) target(%dma_start3A_320 : memref<128x64xf32, #tpu.memory_space<hbm>>) target_semaphore(%arg8 : memref<!tpu.dma_semaphore, #tpu.memory_space<semaphore_mem>>)
    %dma_wait3A_325 = arith.constant 2 : i32
    %dma_wait3A_326 = arith.constant 0 : i32
    %dma_wait3A_327 = arith.constant 0 : i32
    %dma_wait3A_328 = tpu.memref_slice %arg6[%dma_wait3A_325, %dma_wait3A_326, %dma_wait3A_327] : memref<8x128x64xf32, #tpu.memory_space<vmem>> -> memref<1x128x64xf32, #tpu.memory_space<vmem>>
    %dma_wait3A_329 = tpu.memref_squeeze %dma_wait3A_328 : memref<1x128x64xf32, #tpu.memory_space<vmem>> -> memref<128x64xf32, #tpu.memory_space<vmem>>
    %dma_wait3A_330 = arith.constant 0 : i32
    %dma_wait3A_331 = arith.constant 0 : i32
    %dma_wait3A_332 = tpu.memref_slice %arg3[%dma_wait3A_330, %dma_wait3A_331] : memref<1000000x64xf32, #tpu.memory_space<hbm>> -> memref<128x64xf32, #tpu.memory_space<hbm>>
    %dma_wait3A_333 = arith.constant 0 : i32
    %dma_wait3A_334 = arith.constant 0 : i32
    %dma_wait3A_335 = tpu.memref_slice %arg6[%dma_wait3A_325, %dma_wait3A_333, %dma_wait3A_334] : memref<8x128x64xf32, #tpu.memory_space<vmem>> -> memref<1x128x64xf32, #tpu.memory_space<vmem>>
    %dma_wait3A_336 = tpu.memref_squeeze %dma_wait3A_335 : memref<1x128x64xf32, #tpu.memory_space<vmem>> -> memref<128x64xf32, #tpu.memory_space<vmem>>
    %dma_wait3A_337 = arith.constant 0 : i32
    %dma_wait3A_338 = arith.constant 0 : i32
    %dma_wait3A_339 = tpu.memref_slice %arg3[%dma_wait3A_337, %dma_wait3A_338] : memref<1000000x64xf32, #tpu.memory_space<hbm>> -> memref<128x64xf32, #tpu.memory_space<hbm>>
    tpu.wait_dma2 semaphore(%arg8 : memref<!tpu.dma_semaphore, #tpu.memory_space<semaphore_mem>>) src(%dma_wait3A_339 : memref<128x64xf32, #tpu.memory_space<hbm>>) dst(%dma_wait3A_336 : memref<128x64xf32, #tpu.memory_space<vmem>>)
    %dma_wait3A_340 = arith.constant 7 : i32
    %dma_wait3A_341 = arith.constant 0 : i32
    %dma_wait3A_342 = arith.constant 0 : i32
    %dma_wait3A_343 = tpu.memref_slice %arg6[%dma_wait3A_340, %dma_wait3A_341, %dma_wait3A_342] : memref<8x128x64xf32, #tpu.memory_space<vmem>> -> memref<1x128x64xf32, #tpu.memory_space<vmem>>
    %dma_wait3A_344 = tpu.memref_squeeze %dma_wait3A_343 : memref<1x128x64xf32, #tpu.memory_space<vmem>> -> memref<128x64xf32, #tpu.memory_space<vmem>>
    %dma_wait3A_345 = arith.constant 0 : i32
    %dma_wait3A_346 = arith.constant 0 : i32
    %dma_wait3A_347 = tpu.memref_slice %arg3[%dma_wait3A_345, %dma_wait3A_346] : memref<1000000x64xf32, #tpu.memory_space<hbm>> -> memref<128x64xf32, #tpu.memory_space<hbm>>
    %dma_wait3A_348 = arith.constant 0 : i32
    %dma_wait3A_349 = arith.constant 0 : i32
    %dma_wait3A_350 = tpu.memref_slice %arg6[%dma_wait3A_340, %dma_wait3A_348, %dma_wait3A_349] : memref<8x128x64xf32, #tpu.memory_space<vmem>> -> memref<1x128x64xf32, #tpu.memory_space<vmem>>
    %dma_wait3A_351 = tpu.memref_squeeze %dma_wait3A_350 : memref<1x128x64xf32, #tpu.memory_space<vmem>> -> memref<128x64xf32, #tpu.memory_space<vmem>>
    %dma_wait3A_352 = arith.constant 0 : i32
    %dma_wait3A_353 = arith.constant 0 : i32
    %dma_wait3A_354 = tpu.memref_slice %arg3[%dma_wait3A_352, %dma_wait3A_353] : memref<1000000x64xf32, #tpu.memory_space<hbm>> -> memref<128x64xf32, #tpu.memory_space<hbm>>
    tpu.wait_dma2 semaphore(%arg7 : memref<!tpu.dma_semaphore, #tpu.memory_space<semaphore_mem>>) src(%dma_wait3A_354 : memref<128x64xf32, #tpu.memory_space<hbm>>) dst(%dma_wait3A_351 : memref<128x64xf32, #tpu.memory_space<vmem>>)
    %add3A_355 = arith.constant 10112 : i32
    %add3A_356 = arith.addi %mul3A_2, %add3A_355 : i32
    %dma_start3A_357 = arith.constant 7 : i32
    %dma_start3A_358 = arith.constant 0 : i32
    %dma_start3A_359 = arith.constant 0 : i32
    %dma_start3A_360 = tpu.memref_slice %arg6[%dma_start3A_357, %dma_start3A_358, %dma_start3A_359] : memref<8x128x64xf32, #tpu.memory_space<vmem>> -> memref<1x128x64xf32, #tpu.memory_space<vmem>>
    %dma_start3A_361 = tpu.memref_squeeze %dma_start3A_360 : memref<1x128x64xf32, #tpu.memory_space<vmem>> -> memref<128x64xf32, #tpu.memory_space<vmem>>
    %dma_start3A_362 = arith.constant 0 : i32
    %dma_start3A_363 = tpu.memref_slice %arg4[%add3A_356, %dma_start3A_362] : memref<327680x64xf32, #tpu.memory_space<hbm>> -> memref<128x64xf32, #tpu.memory_space<hbm>>
    %dma_start3A_364 = arith.constant 0 : i32
    %dma_start3A_365 = tpu.memref_slice %arg4[%add3A_356, %dma_start3A_364] : memref<327680x64xf32, #tpu.memory_space<hbm>> -> memref<128x64xf32, #tpu.memory_space<hbm>>
    %dma_start3A_366 = arith.constant 0 : i32
    %dma_start3A_367 = arith.constant 0 : i32
    %dma_start3A_368 = tpu.memref_slice %arg6[%dma_start3A_357, %dma_start3A_366, %dma_start3A_367] : memref<8x128x64xf32, #tpu.memory_space<vmem>> -> memref<1x128x64xf32, #tpu.memory_space<vmem>>
    %dma_start3A_369 = tpu.memref_squeeze %dma_start3A_368 : memref<1x128x64xf32, #tpu.memory_space<vmem>> -> memref<128x64xf32, #tpu.memory_space<vmem>>
    tpu.enqueue_dma source(%dma_start3A_369 : memref<128x64xf32, #tpu.memory_space<vmem>>) target(%dma_start3A_365 : memref<128x64xf32, #tpu.memory_space<hbm>>) target_semaphore(%arg8 : memref<!tpu.dma_semaphore, #tpu.memory_space<semaphore_mem>>)
    %dma_wait3A_370 = arith.constant 3 : i32
    %dma_wait3A_371 = arith.constant 0 : i32
    %dma_wait3A_372 = arith.constant 0 : i32
    %dma_wait3A_373 = tpu.memref_slice %arg6[%dma_wait3A_370, %dma_wait3A_371, %dma_wait3A_372] : memref<8x128x64xf32, #tpu.memory_space<vmem>> -> memref<1x128x64xf32, #tpu.memory_space<vmem>>
    %dma_wait3A_374 = tpu.memref_squeeze %dma_wait3A_373 : memref<1x128x64xf32, #tpu.memory_space<vmem>> -> memref<128x64xf32, #tpu.memory_space<vmem>>
    %dma_wait3A_375 = arith.constant 0 : i32
    %dma_wait3A_376 = arith.constant 0 : i32
    %dma_wait3A_377 = tpu.memref_slice %arg3[%dma_wait3A_375, %dma_wait3A_376] : memref<1000000x64xf32, #tpu.memory_space<hbm>> -> memref<128x64xf32, #tpu.memory_space<hbm>>
    %dma_wait3A_378 = arith.constant 0 : i32
    %dma_wait3A_379 = arith.constant 0 : i32
    %dma_wait3A_380 = tpu.memref_slice %arg6[%dma_wait3A_370, %dma_wait3A_378, %dma_wait3A_379] : memref<8x128x64xf32, #tpu.memory_space<vmem>> -> memref<1x128x64xf32, #tpu.memory_space<vmem>>
    %dma_wait3A_381 = tpu.memref_squeeze %dma_wait3A_380 : memref<1x128x64xf32, #tpu.memory_space<vmem>> -> memref<128x64xf32, #tpu.memory_space<vmem>>
    %dma_wait3A_382 = arith.constant 0 : i32
    %dma_wait3A_383 = arith.constant 0 : i32
    %dma_wait3A_384 = tpu.memref_slice %arg3[%dma_wait3A_382, %dma_wait3A_383] : memref<1000000x64xf32, #tpu.memory_space<hbm>> -> memref<128x64xf32, #tpu.memory_space<hbm>>
    tpu.wait_dma2 semaphore(%arg8 : memref<!tpu.dma_semaphore, #tpu.memory_space<semaphore_mem>>) src(%dma_wait3A_384 : memref<128x64xf32, #tpu.memory_space<hbm>>) dst(%dma_wait3A_381 : memref<128x64xf32, #tpu.memory_space<vmem>>)
    %dma_wait3A_385 = arith.constant 4 : i32
    %dma_wait3A_386 = arith.constant 0 : i32
    %dma_wait3A_387 = arith.constant 0 : i32
    %dma_wait3A_388 = tpu.memref_slice %arg6[%dma_wait3A_385, %dma_wait3A_386, %dma_wait3A_387] : memref<8x128x64xf32, #tpu.memory_space<vmem>> -> memref<1x128x64xf32, #tpu.memory_space<vmem>>
    %dma_wait3A_389 = tpu.memref_squeeze %dma_wait3A_388 : memref<1x128x64xf32, #tpu.memory_space<vmem>> -> memref<128x64xf32, #tpu.memory_space<vmem>>
    %dma_wait3A_390 = arith.constant 0 : i32
    %dma_wait3A_391 = arith.constant 0 : i32
    %dma_wait3A_392 = tpu.memref_slice %arg3[%dma_wait3A_390, %dma_wait3A_391] : memref<1000000x64xf32, #tpu.memory_space<hbm>> -> memref<128x64xf32, #tpu.memory_space<hbm>>
    %dma_wait3A_393 = arith.constant 0 : i32
    %dma_wait3A_394 = arith.constant 0 : i32
    %dma_wait3A_395 = tpu.memref_slice %arg6[%dma_wait3A_385, %dma_wait3A_393, %dma_wait3A_394] : memref<8x128x64xf32, #tpu.memory_space<vmem>> -> memref<1x128x64xf32, #tpu.memory_space<vmem>>
    %dma_wait3A_396 = tpu.memref_squeeze %dma_wait3A_395 : memref<1x128x64xf32, #tpu.memory_space<vmem>> -> memref<128x64xf32, #tpu.memory_space<vmem>>
    %dma_wait3A_397 = arith.constant 0 : i32
    %dma_wait3A_398 = arith.constant 0 : i32
    %dma_wait3A_399 = tpu.memref_slice %arg3[%dma_wait3A_397, %dma_wait3A_398] : memref<1000000x64xf32, #tpu.memory_space<hbm>> -> memref<128x64xf32, #tpu.memory_space<hbm>>
    tpu.wait_dma2 semaphore(%arg8 : memref<!tpu.dma_semaphore, #tpu.memory_space<semaphore_mem>>) src(%dma_wait3A_399 : memref<128x64xf32, #tpu.memory_space<hbm>>) dst(%dma_wait3A_396 : memref<128x64xf32, #tpu.memory_space<vmem>>)
    %dma_wait3A_400 = arith.constant 5 : i32
    %dma_wait3A_401 = arith.constant 0 : i32
    %dma_wait3A_402 = arith.constant 0 : i32
    %dma_wait3A_403 = tpu.memref_slice %arg6[%dma_wait3A_400, %dma_wait3A_401, %dma_wait3A_402] : memref<8x128x64xf32, #tpu.memory_space<vmem>> -> memref<1x128x64xf32, #tpu.memory_space<vmem>>
    %dma_wait3A_404 = tpu.memref_squeeze %dma_wait3A_403 : memref<1x128x64xf32, #tpu.memory_space<vmem>> -> memref<128x64xf32, #tpu.memory_space<vmem>>
    %dma_wait3A_405 = arith.constant 0 : i32
    %dma_wait3A_406 = arith.constant 0 : i32
    %dma_wait3A_407 = tpu.memref_slice %arg3[%dma_wait3A_405, %dma_wait3A_406] : memref<1000000x64xf32, #tpu.memory_space<hbm>> -> memref<128x64xf32, #tpu.memory_space<hbm>>
    %dma_wait3A_408 = arith.constant 0 : i32
    %dma_wait3A_409 = arith.constant 0 : i32
    %dma_wait3A_410 = tpu.memref_slice %arg6[%dma_wait3A_400, %dma_wait3A_408, %dma_wait3A_409] : memref<8x128x64xf32, #tpu.memory_space<vmem>> -> memref<1x128x64xf32, #tpu.memory_space<vmem>>
    %dma_wait3A_411 = tpu.memref_squeeze %dma_wait3A_410 : memref<1x128x64xf32, #tpu.memory_space<vmem>> -> memref<128x64xf32, #tpu.memory_space<vmem>>
    %dma_wait3A_412 = arith.constant 0 : i32
    %dma_wait3A_413 = arith.constant 0 : i32
    %dma_wait3A_414 = tpu.memref_slice %arg3[%dma_wait3A_412, %dma_wait3A_413] : memref<1000000x64xf32, #tpu.memory_space<hbm>> -> memref<128x64xf32, #tpu.memory_space<hbm>>
    tpu.wait_dma2 semaphore(%arg8 : memref<!tpu.dma_semaphore, #tpu.memory_space<semaphore_mem>>) src(%dma_wait3A_414 : memref<128x64xf32, #tpu.memory_space<hbm>>) dst(%dma_wait3A_411 : memref<128x64xf32, #tpu.memory_space<vmem>>)
    %dma_wait3A_415 = arith.constant 6 : i32
    %dma_wait3A_416 = arith.constant 0 : i32
    %dma_wait3A_417 = arith.constant 0 : i32
    %dma_wait3A_418 = tpu.memref_slice %arg6[%dma_wait3A_415, %dma_wait3A_416, %dma_wait3A_417] : memref<8x128x64xf32, #tpu.memory_space<vmem>> -> memref<1x128x64xf32, #tpu.memory_space<vmem>>
    %dma_wait3A_419 = tpu.memref_squeeze %dma_wait3A_418 : memref<1x128x64xf32, #tpu.memory_space<vmem>> -> memref<128x64xf32, #tpu.memory_space<vmem>>
    %dma_wait3A_420 = arith.constant 0 : i32
    %dma_wait3A_421 = arith.constant 0 : i32
    %dma_wait3A_422 = tpu.memref_slice %arg3[%dma_wait3A_420, %dma_wait3A_421] : memref<1000000x64xf32, #tpu.memory_space<hbm>> -> memref<128x64xf32, #tpu.memory_space<hbm>>
    %dma_wait3A_423 = arith.constant 0 : i32
    %dma_wait3A_424 = arith.constant 0 : i32
    %dma_wait3A_425 = tpu.memref_slice %arg6[%dma_wait3A_415, %dma_wait3A_423, %dma_wait3A_424] : memref<8x128x64xf32, #tpu.memory_space<vmem>> -> memref<1x128x64xf32, #tpu.memory_space<vmem>>
    %dma_wait3A_426 = tpu.memref_squeeze %dma_wait3A_425 : memref<1x128x64xf32, #tpu.memory_space<vmem>> -> memref<128x64xf32, #tpu.memory_space<vmem>>
    %dma_wait3A_427 = arith.constant 0 : i32
    %dma_wait3A_428 = arith.constant 0 : i32
    %dma_wait3A_429 = tpu.memref_slice %arg3[%dma_wait3A_427, %dma_wait3A_428] : memref<1000000x64xf32, #tpu.memory_space<hbm>> -> memref<128x64xf32, #tpu.memory_space<hbm>>
    tpu.wait_dma2 semaphore(%arg8 : memref<!tpu.dma_semaphore, #tpu.memory_space<semaphore_mem>>) src(%dma_wait3A_429 : memref<128x64xf32, #tpu.memory_space<hbm>>) dst(%dma_wait3A_426 : memref<128x64xf32, #tpu.memory_space<vmem>>)
    %dma_wait3A_430 = arith.constant 7 : i32
    %dma_wait3A_431 = arith.constant 0 : i32
    %dma_wait3A_432 = arith.constant 0 : i32
    %dma_wait3A_433 = tpu.memref_slice %arg6[%dma_wait3A_430, %dma_wait3A_431, %dma_wait3A_432] : memref<8x128x64xf32, #tpu.memory_space<vmem>> -> memref<1x128x64xf32, #tpu.memory_space<vmem>>
    %dma_wait3A_434 = tpu.memref_squeeze %dma_wait3A_433 : memref<1x128x64xf32, #tpu.memory_space<vmem>> -> memref<128x64xf32, #tpu.memory_space<vmem>>
    %dma_wait3A_435 = arith.constant 0 : i32
    %dma_wait3A_436 = arith.constant 0 : i32
    %dma_wait3A_437 = tpu.memref_slice %arg3[%dma_wait3A_435, %dma_wait3A_436] : memref<1000000x64xf32, #tpu.memory_space<hbm>> -> memref<128x64xf32, #tpu.memory_space<hbm>>
    %dma_wait3A_438 = arith.constant 0 : i32
    %dma_wait3A_439 = arith.constant 0 : i32
    %dma_wait3A_440 = tpu.memref_slice %arg6[%dma_wait3A_430, %dma_wait3A_438, %dma_wait3A_439] : memref<8x128x64xf32, #tpu.memory_space<vmem>> -> memref<1x128x64xf32, #tpu.memory_space<vmem>>
    %dma_wait3A_441 = tpu.memref_squeeze %dma_wait3A_440 : memref<1x128x64xf32, #tpu.memory_space<vmem>> -> memref<128x64xf32, #tpu.memory_space<vmem>>
    %dma_wait3A_442 = arith.constant 0 : i32
    %dma_wait3A_443 = arith.constant 0 : i32
    %dma_wait3A_444 = tpu.memref_slice %arg3[%dma_wait3A_442, %dma_wait3A_443] : memref<1000000x64xf32, #tpu.memory_space<hbm>> -> memref<128x64xf32, #tpu.memory_space<hbm>>
    tpu.wait_dma2 semaphore(%arg8 : memref<!tpu.dma_semaphore, #tpu.memory_space<semaphore_mem>>) src(%dma_wait3A_444 : memref<128x64xf32, #tpu.memory_space<hbm>>) dst(%dma_wait3A_441 : memref<128x64xf32, #tpu.memory_space<vmem>>)
    return
  }
}

</mosaic_0001>

<sc_bundles>
// kernel: _embedding_sc.3.cloned.1.call-start
scs
__scs_entry_jumppad:
0x0: {  	(pc) =	sbr.rel $0x88, $3  }
0x1: {  	(tag) =	ssettag $0x0;
	lr =	simm.s32 $0x1  }
0x2: {  	[smem:$0x3F9F] =	sst lr;
	_ =	strace $0xD0000000  }
0x3: {  	_ = 	snop  }
0x4: {  	_ = 	snop  }
0x5: {  	_ = 	snop  }
0x6: {  	_ = 	snop  }
0x7: {  	_ = 	snop  }
__scs_overlays_trampoline_lowered:
0x8: {  	[smem:$0x3FAE] =	sst s0  }
0x9: {  	[smem:$0x3FAF] =	sst s1  }
0xa: {  	[smem:$0x3FB0] =	sst s2  }
0xb: {  	[smem:$0x3FB1] =	sst s3  }
0xc: {  	[smem:$0x3FB2] =	sst s4  }
0xd: {  	[smem:$0x3FB3] =	sst s5  }
0xe: {  	[smem:$0x3FB4] =	sst s6  }
0xf: {  	[smem:$0x3FB5] =	sst s7  }
0x10: {  	[smem:$0x3FB6] =	sst s8  }
0x11: {  	[smem:$0x3FB7] =	sst s9;
	s0 =	simm.s32 @!p0 $0x0  }
0x12: {  	s1 =	sld [smem:$0x3F9D];
	s0 =	simm.s32 @p0 $0x1  }
0x13: {  	[smem:$0x3FB8] =	sst s0;
	s0 =	simm.s32 @!p1 $0x0  }
0x14: {  	s2 =	sld [smem:$0x3F9C];
	s0 =	simm.s32 @p1 $0x1  }
0x15: {  	[smem:$0x3FB9] =	sst s0;
	s0 =	simm.s32 @!p2 $0x0  }
0x16: {  	s3 =	sld [smem:$0x3FDB];
	s0 =	simm.s32 @p2 $0x1  }
0x17: {  	s4 =	simm.s32 $0x1BF5;
	[smem:$0x3FBB] =	sst s0  }
0x18: {  	s0 =	sld [smem:$0x3F9E];
	_ =	swait.ge [sflag:s4], $0x0  }
0x19: {  	s7 =	sld [smem:$0x3F9F]  }
0x1a: {  	s8 =	sadd.s32 $0xFFFFE003, lr  }
0x1b: {  	s9 =	sadd.s32 $0xFFFFFEF7, lr;
	s5 =	simm.s32 $0xFFFFFFFF;
	p2 =	slt.u32 s8, $0xFFFFF086  }
0x1c: {  	p1 =	slt.u32 s9, $0xF7A;
	s5 =	simm.s32 @!p2 $0x0  }
0x1d: {  	s5 =	simm.s32 @p1 $0x1;
	p0 =	seq.s32 s7, s2  }
0x1e: {  	s7 =	smul.u32 @!p0 $0xF7A, s2;
	p2 =	seq.s32 @!p0 s5, $0x0  }
0x1f: {  	s9 =	smul.u32 $0xF7A, s1;
	s8 =	simm.s32 @!p0 $0x1BF5;
	p2 =	por !p2, p0  }
0x20: {  	[sflag:s8] =	ssyncset.s32 @!p0 $0xFFFFF086;
	s6 =	sadd.s32 @!p0 s3, s7;
	s7 =	simm.s32 @!p0 $0x108  }
0x21: {  	s3 =	sadd.s32 s3, s9;
	s6 =	sadd.s32 @!p0 $0x88, s6;
	s7 =	simm.s32 @p2 $0x1082  }
0x22: {  	[simem:s7], [sflag:s8] =	dma.local @!p0 [hbm:s6], $0xF7A  }
0x23: {  	s9 =	sor.u32 $0xD0000000, s2;
	s6 =	simm.s32 $0x108;
	_ =	swait.ge @!p0 [sflag:s8], $0x0  }
0x24: {  	s3 =	sadd.s32 $0x88, s3;
	s6 =	simm.s32 @!p1 $0x1082;
	[sflag:s4] =	ssyncset.s32 $0xFFFFF086  }
0x25: {  	[simem:s6], [sflag:s4] =	dma.local [hbm:s3], $0xF7A  }
0x26: {  	[smem:$0x3F9F] =	sst s1;
	(tag) =	ssettag s2;
	_ =	strace s9  }
0x27: {  	s1 =	sld [smem:$0x3FAF]  }
0x28: {  	s2 =	sld [smem:$0x3FB0]  }
0x29: {  	s4 =	sld [smem:$0x3FB2]  }
0x2a: {  	p0 =	seq.s32 s5, $0x0;
	s5 =	sld [smem:$0x3FB3]  }
0x2b: {  	s6 =	sld [smem:$0x3FB4]  }
0x2c: {  	s7 =	sld [smem:$0x3FB5]  }
0x2d: {  	s3 =	simm.s32 $0x108;
	s8 =	sld [smem:$0x3FB6]  }
0x2e: {  	s3 =	simm.s32 @!p0 $0x1082;
	s9 =	sld [smem:$0x3FB7]  }
0x2f: {  	lr =	sadd.s32 s0, s3;
	s0 =	sld [smem:$0x3FAE]  }
0x30: {  	s3 =	sld [smem:$0x3FB1]  }
0x31: {  	[smem:$0x3FBA] =	sst s10  }
0x32: {  	s10 =	sld [smem:$0x3FB8];
	_ =	sdelay $0x3  }
0x33: {  	p0 =	seq.s32 s10, $0x1;
	s10 =	sld [smem:$0x3FBA];
	_ =	sdelay $0x3  }
0x34: {  	[smem:$0x3FBA] =	sst s10  }
0x35: {  	s10 =	sld [smem:$0x3FB9];
	_ =	sdelay $0x3  }
0x36: {  	p1 =	seq.s32 s10, $0x1;
	s10 =	sld [smem:$0x3FBA];
	_ =	sdelay $0x3  }
0x37: {  	[smem:$0x3FBA] =	sst s10  }
0x38: {  	s10 =	sld [smem:$0x3FBB]  }
0x39: {  	_ = 	snop;
	(pc) =	sbr.ind lr, $3  }
0x3a: {  	_ = 	snop  }
0x3b: {  	_ = 	snop  }
0x3c: {  	p2 =	seq.s32 s10, $0x1;
	s10 =	sld [smem:$0x3FBA]  }
0x3d: {  	_ =	shalt  }
0x3e: {  	_ =	shalt  }
0x3f: {  	_ =	shalt  }
0x40: {  	_ =	shalt  }
0x41: {  	_ =	shalt  }
0x42: {  	_ =	shalt  }
0x43: {  	_ =	shalt  }
0x44: {  	_ =	shalt  }
0x45: {  	_ =	shalt  }
0x46: {  	_ =	shalt  }
0x47: {  	_ =	shalt  }
0x48: {  	_ =	shalt  }
0x49: {  	_ =	shalt  }
0x4a: {  	_ =	shalt  }
0x4b: {  	_ =	shalt  }
0x4c: {  	_ =	shalt  }
0x4d: {  	_ =	shalt  }
0x4e: {  	_ =	shalt  }
0x4f: {  	_ =	shalt  }
0x50: {  	_ =	shalt  }
0x51: {  	_ =	shalt  }
0x52: {  	_ =	shalt  }
0x53: {  	_ =	shalt  }
0x54: {  	_ =	shalt  }
0x55: {  	_ =	shalt  }
0x56: {  	_ =	shalt  }
0x57: {  	_ =	shalt  }
0x58: {  	_ =	shalt  }
0x59: {  	_ =	shalt  }
0x5a: {  	_ =	shalt  }
0x5b: {  	_ =	shalt  }
0x5c: {  	_ =	shalt  }
0x5d: {  	_ =	shalt  }
0x5e: {  	_ =	shalt  }
0x5f: {  	_ =	shalt  }
0x60: {  	_ =	shalt  }
0x61: {  	_ =	shalt  }
0x62: {  	_ =	shalt  }
0x63: {  	_ =	shalt  }
0x64: {  	_ =	shalt  }
0x65: {  	_ =	shalt  }
0x66: {  	_ =	shalt  }
0x67: {  	_ =	shalt  }
0x68: {  	_ =	shalt  }
0x69: {  	_ =	shalt  }
0x6a: {  	_ =	shalt  }
0x6b: {  	_ =	shalt  }
0x6c: {  	_ =	shalt  }
0x6d: {  	_ =	shalt  }
0x6e: {  	_ =	shalt  }
0x6f: {  	_ =	shalt  }
0x70: {  	_ =	shalt  }
0x71: {  	_ =	shalt  }
0x72: {  	_ =	shalt  }
0x73: {  	_ =	shalt  }
0x74: {  	_ =	shalt  }
0x75: {  	_ =	shalt  }
0x76: {  	_ =	shalt  }
0x77: {  	_ =	shalt  }
0x78: {  	_ =	shalt  }
0x79: {  	_ =	shalt  }
0x7a: {  	_ =	shalt  }
0x7b: {  	_ =	shalt  }
0x7c: {  	_ =	shalt  }
0x7d: {  	_ =	shalt  }
0x7e: {  	_ =	shalt  }
0x7f: {  	_ =	shalt  }
0x80: {  	_ =	shalt  }
0x81: {  	_ =	shalt  }
0x82: {  	_ =	shalt  }
0x83: {  	_ =	shalt  }
0x84: {  	_ =	shalt  }
0x85: {  	_ =	shalt  }
0x86: {  	_ =	shalt  }
0x87: {  	_ =	shalt  }
.Lfunc_end0:
.L_simem_size_0:
called_computation.1_lowered:
.L_overlay_start_0:
0x88: {  	s2 =	sld [smem:$0x3FD9]  }
0x89: {  	s3 =	sld [smem:$0x3FFE];
	_ =	sdelay $0x1  }
0x8a: {  	s1 =	srdreg.scid  }
0x8b: {  	s0 =	sand.u32 $0x1, s1  }
0x8c: {  	s17 =	sshll.u32 s0, $0xA;
	s2 =	sadd.s32 s3, s2  }
0x8d: {  	s2 =	sadd.s32 s2, s17  }
0x8e: {  	[smem:$0x3FC6] =	sst s2  }
0x8f: {  	_ = 	snop  }
0x90: {  	s2 =	sld [smem:$0x3FC9]  }
0x91: {  	s18 =	sld [smem:$0x3FD0];
	(tm) =	ssettm $0x1  }
0x92: {  	s4 =	sld [smem:$0x3FFB];
	_ =	sdelay $0x3  }
0x93: {  	_ =	strace s4  }
0x94: {  	s4 =	sld [smem:$0x3FFC];
	_ =	sdelay $0x3  }
0x95: {  	_ =	strace s4  }
0x96: {  	s4 =	sld [smem:$0x3FFD];
	_ =	sdelay $0x3  }
0x97: {  	_ =	strace s4  }
0x98: {  	_ =	strace $0x8FFFFFFF  }
0x99: {  	s19 =	sld [smem:$0x3FDB];
	_ =	sdelay $0x1  }
0x9a: {  	s5 =	simm.s32 $_scs_section_size  }
0x9b: {  	s6 =	simm.s32 $_size__tile_overlayer_lowered;
	s7 =	simm.s32 $_tile_overlayer_lowered  }
0x9c: {  	s22 =	simm.s32 $0x1BFF;
	s21 =	sshll.u32 s7, $0x1;
	s4 =	sadd.s32 s5, s19  }
0x9d: {  	s8 =	simm.s32 $0x0;
	s20 =	sshll.u32 s6, $0x1;
	s6 =	sadd.s32 s21, s4  }
0x9e: {  	[timem:s8], [sflag:s22] =	dma.local [hbm:s6], s20  }
0x9f: {  	_ =	swait.ge [sflag:s22], s20  }
0xa0: {  	s5 =	ssub.s32 $0x0, s20;
	[sflag:s22] =	ssyncset.done $0x0  }
0xa1: {  	[sflag:s22] =	ssyncadd.s32 s5;
	_ =	sdelay $0x1  }
0xa2: {  	s23 =	simm.s32 $0x1B8B  }
0xa3: {  	_ =	swait.ge [sflag:s23], $0x1  }
0xa4: {  	[sflag:s23] =	ssyncset.done $0x0  }
0xa5: {  	s25 =	simm.s32 $0x1B8E;
	s24 =	sld [smem:$0x3FFE];
	[sflag:s23] =	ssyncadd.s32 $0xFFFFFFFF  }
0xa6: {  	s26 =	simm.s32 $execute0_lowered;
	[smem:$0x3FD2] =	sst s25  }
0xa7: {  	s6 =	sshll.u32 s26, $0x1;
	_ =	strace $0x80000046;
	[dreg:$0x1] =	wrdreg $0xFFFFFFFF  }
0xa8: {  	s28 =	simm.s32 $_size_execute0_lowered;
	s4 =	sadd.s32 s4, s6;
	[dreg:$0x0] =	wrdreg $0x0  }
0xa9: {  	s6 =	sshll.u32 s28, $0x1;
	[dreg:$0x2] =	wrdreg s4  }
0xaa: {  	[dreg:$0x3] =	wrdreg s6  }
0xab: {  	[dreg:$0x4] =	wrdreg $0xC0  }
0xac: {  	_ =	task [dreg:s8], $0x5FFFF  }
0xad: {  	[dreg:$0x1] =	wrdreg $0xFFFFFFFF  }
0xae: {  	[dreg:$0x0] =	wrdreg $0x60  }
0xaf: {  	[dreg:$0x2] =	wrdreg s2  }
0xb0: {  	[dreg:$0x3] =	wrdreg s24  }
0xb1: {  	[dreg:$0x4] =	wrdreg s18  }
0xb2: {  	[dreg:$0x5] =	wrdreg $0x9  }
0xb3: {  	_ =	task.clear_ibuf [dreg:s8], $0x6FFFF;
	_ =	strace $0x90000046  }
0xb4: {  	s29 =	simm.s32 $0x9;
	_ =	strace $0x80000048  }
0xb5: {  	_ =	swait.ge [sflag:s29], $0x1  }
0xb6: {  	[sflag:s29] =	ssyncadd.s32 $0xFFFFFFFF  }
0xb7: {  	_ =	strace $0x90000048  }
0xb8: {  	_ =	sfence  }
0xb9: {  	s30 =	sld [smem:$0x0];
	_ =	sdelay $0x2  }
0xba: {  	s31 =	sshll.u32 s1, $0xD;
	s1 =	sshrl.u32 s1, $0x2  }
0xbb: {  	s3 =	sand.u32 $0x4000, s31;
	s1 =	sadd.s32 s1, s30  }
0xbc: {  	s0 =	sor.u32 s3, s0;
	s1 =	sshll.u32 s1, $0x11  }
0xbd: {  	s0 =	sor.u32 s1, s0  }
0xbe: {  	s0 =	sadd.s32 $0x8F2B, s0  }
0xbf: {  	[sflag:s0] =	ssyncadd.remote.s32 $0x1  }
0xc0: {  	_ =	sfence.sel $0xFFFF  }
0xc1: {  	[dreg:$0x0] =	wrdreg $0xFFFFFFFF;
	(pc) =	sbr.abs _section_cstart, $3  }
0xc2: {  	[dreg:$0x1] =	wrdreg $0xFFFFFFFF  }
0xc3: {  	_ =	task.clear_ibuf [dreg:s8], $0x2FFFF;
	_ =	strace $0x9FFFFFFF  }
0xc4: {  	(tm) =	ssettm $0x7FFFFFFF  }
0xc5: {  	_ =	shalt  }
tec
execute0_lowered:
.L_overlay_start_1:
0x0: {  	(tag) =	ssettag $0x1  }
0x1: {  	s0 =	srdreg.scid;
	s1 =	rddreg [dreg:$0x0]  }
0x2: {  	s8 =	stileid.u32;
	s4 =	rddreg [dreg:$0x1];
	s3 =	simm.s32 $0x0  }
0x3: {  	s16 =	simm.s32 $0x80;
	s17 =	simm.s32 $0x2800;
	s18 =	simm.s32 $0x4800  }
0x4: {  	s20 =	simm.s32 $0x6800;
	s22 =	simm.s32 $0x8800;
	s28 =	simm.s32 $0xC800  }
0x5: {  	s30 =	simm.s32 $0xE800;
	s31 =	simm.s32 $0x380;
	s19 =	simm.s32 $0x0  }
0x6: {  	s0 =	sand.u32 $0x1, s0;
	s2 =	sshll.u32 s8, $0x1;
	s8 =	smul.u32 $0x5000, s8  }
0x7: {  	s9 =	sor.u32 s0, s2;
	s7 =	ssub.s32 $0x2, s0;
	s0 =	smul.u32 $0x2800, s0  }
0x8: {  	[smem:$0x7FF] =	sst s3;
	s4 =	sadd.s32 $0xF42C00, s4;
	s5 =	smul.u32 $0x2800, s9  }
0x9: {  	s2 =	rddreg [dreg:$0x2];
	_ =	strace $0x80000047;
	s6 =	smul.u32 $0x14000, s9  }
0xa: {  	s10 =	sshrl.u32 s7, $0x1;
	s24 =	smul.u32 $0xA0000, s9;
	s0 =	sadd.s32 s0, s8  }
0xb: {  	s14 =	ssub.s32 s7, s10;
	s23 =	sshrl.u32 s5, $0x3;
	s0 =	sshll.u32 s0, $0x3  }
0xc: {  	s5 =	sadd.s32 s2, s6;
	s14 =	smax.u32 s14, $0x1;
	s25 =	sor.u32 $0x1C00, s0  }
0xd: {  	s6 =	sadd.s32 s1, s23;
	s26 =	sor.u32 $0x1800, s0;
	[dreg:$0x4] =	wrdreg s25  }
0xe: {  	s7 =	sadd.s32 $0x400, s5;
	s29 =	sor.u32 $0x1400, s0;
	[dreg:$0x5] =	wrdreg s26  }
0xf: {  	s8 =	sadd.s32 $0x800, s5;
	s11 =	sor.u32 $0x1000, s0;
	[dreg:$0x6] =	wrdreg s29  }
0x10: {  	s9 =	sadd.s32 $0xC00, s5;
	s12 =	sor.u32 $0x2C00, s0;
	[dreg:$0x7] =	wrdreg s11  }
0x11: {  	s1 =	sshrl.u32 s24, $0x3;
	s13 =	sor.u32 $0x2800, s0;
	[dreg:$0x8] =	wrdreg s12  }
0x12: {  	s15 =	sor.u32 $0x2400, s0;
	s0 =	sor.u32 $0x2000, s0;
	[dreg:$0x9] =	wrdreg s13  }
0x13: {  	s23 =	simm.s32 $0x1;
	s1 =	sadd.s32 s2, s1;
	[dreg:$0xa] =	wrdreg s15  }
0x14: {  	[dreg:$0xb] =	wrdreg s0;
	s15 =	simm.s32 $0x3;
	s25 =	simm.s32 $0xA800  }
0x15: {  	s0 =	simm.s32 $0x2;
	s10 =	sadd.s32 $0x13000, s1;
	s11 =	sadd.s32 $0x13400, s1  }
0x16: {  	s12 =	sadd.s32 $0x13800, s1;
	s13 =	sadd.s32 $0x13C00, s1;
	s1 =	simm.s32 $0x10800  }
.LBB2_1:
0x17: {  	[tilespmem:s3], [sflag:$0x3] =	stream.linear.gather [hbm4b:s6+s3], $0x2800, $0x38;
	[tilespmem:$0x12800] =	vst v63  }
0x18: {  	_ =	swait.ge [sflag:s15], $0x2800  }
0x19: {  	[sflag:s15] =	ssyncset.done $0x0  }
0x1a: {  	[sflag:s15] =	ssyncadd.s32 $0xFFFFD800  }
0x1b: {  	[tilespmem:s17], [sflag:$0x1] =	stream.indirect.gather [hbm4b:s4+s16], $0x40, s3, s16, $0xb8;
	[tilespmem:$0x12800] =	vst v63  }
0x1c: {  	_ = 	snop  }
0x1d: {  	[tilespmem:s18], [sflag:$0x1] =	stream.indirect.gather [hbm4b:s4+s16], $0x40, s16, s16, $0xb8;
	[tilespmem:$0x12800] =	vst v63  }
0x1e: {  	s21 =	simm.s32 $0x100  }
0x1f: {  	[tilespmem:s20], [sflag:$0x1] =	stream.indirect.gather [hbm4b:s4+s16], $0x40, s21, s16, $0xb8;
	[tilespmem:$0x12800] =	vst v63  }
0x20: {  	s29 =	simm.s32 $0x180  }
0x21: {  	[tilespmem:s22], [sflag:$0x1] =	stream.indirect.gather [hbm4b:s4+s16], $0x40, s29, s16, $0xb8;
	[tilespmem:$0x12800] =	vst v63  }
0x22: {  	_ =	swait.ge [sflag:s23], $0x2000  }
0x23: {  	[sflag:s23] =	ssyncset.done $0x0  }
0x24: {  	[sflag:s23] =	ssyncadd.s32 $0xFFFFE000  }
0x25: {  	[hbm4b:s5+s3] =	stream.linear.scatter [tilespmem:s17], [sflag:$0x2], $0x2000, $0x38;
	[tilespmem:$0x12800] =	vst v63  }
0x26: {  	s24 =	simm.s32 $0x200  }
0x27: {  	[tilespmem:s25], [sflag:$0x1] =	stream.indirect.gather [hbm4b:s4+s16], $0x40, s24, s16, $0xb8;
	[tilespmem:$0x12800] =	vst v63  }
0x28: {  	_ =	swait.ge [sflag:s23], $0x2000  }
0x29: {  	[sflag:s23] =	ssyncset.done $0x0  }
0x2a: {  	[sflag:s23] =	ssyncadd.s32 $0xFFFFE000  }
0x2b: {  	[hbm4b:s7+s3] =	stream.linear.scatter [tilespmem:s18], [sflag:$0x2], $0x2000, $0x38;
	[tilespmem:$0x12800] =	vst v63  }
0x2c: {  	s26 =	simm.s32 $0x280  }
0x2d: {  	[tilespmem:s28], [sflag:$0x1] =	stream.indirect.gather [hbm4b:s4+s16], $0x40, s26, s16, $0xb8;
	[tilespmem:$0x12800] =	vst v63  }
0x2e: {  	_ =	swait.ge [sflag:s23], $0x2000  }
0x2f: {  	[sflag:s23] =	ssyncset.done $0x0  }
0x30: {  	[sflag:s23] =	ssyncadd.s32 $0xFFFFE000  }
0x31: {  	[hbm4b:s8+s3] =	stream.linear.scatter [tilespmem:s20], [sflag:$0x2], $0x2000, $0x38;
	[tilespmem:$0x12800] =	vst v63  }
0x32: {  	s29 =	simm.s32 $0x300  }
0x33: {  	[tilespmem:s30], [sflag:$0x1] =	stream.indirect.gather [hbm4b:s4+s16], $0x40, s29, s16, $0xb8;
	[tilespmem:$0x12800] =	vst v63  }
0x34: {  	_ =	swait.ge [sflag:s23], $0x2000  }
0x35: {  	[sflag:s23] =	ssyncset.done $0x0  }
0x36: {  	[sflag:s23] =	ssyncadd.s32 $0xFFFFE000  }
0x37: {  	[hbm4b:s9+s3] =	stream.linear.scatter [tilespmem:s22], [sflag:$0x2], $0x2000, $0x38;
	[tilespmem:$0x12800] =	vst v63  }
0x38: {  	_ = 	snop  }
0x39: {  	[tilespmem:s1], [sflag:$0x1] =	stream.indirect.gather [hbm4b:s4+s16], $0x40, s31, s16, $0xb8;
	[tilespmem:$0x12800] =	vst v63  }
0x3a: {  	_ =	swait.ge [sflag:s23], $0x2000  }
0x3b: {  	s24 =	rddreg [dreg:$0x7];
	[sflag:s23] =	ssyncset.done $0x0  }
0x3c: {  	[sflag:s23] =	ssyncadd.s32 $0xFFFFE000;
	s21 =	sadd.s32 s2, s24  }
0x3d: {  	[hbm4b:s21+s3] =	stream.linear.scatter [tilespmem:s25], [sflag:$0x2], $0x2000, $0x38;
	[tilespmem:$0x12800] =	vst v63  }
0x3e: {  	_ =	swait.ge [sflag:s0], $0x2000  }
0x3f: {  	[sflag:s0] =	ssyncset.done $0x0  }
0x40: {  	s26 =	simm.s32 $0x400;
	[sflag:s0] =	ssyncadd.s32 $0xFFFFE000  }
0x41: {  	[tilespmem:s17], [sflag:$0x1] =	stream.indirect.gather [hbm4b:s4+s16], $0x40, s26, s16, $0xb8;
	[tilespmem:$0x12800] =	vst v63  }
0x42: {  	_ =	swait.ge [sflag:s23], $0x2000  }
0x43: {  	s29 =	rddreg [dreg:$0x6];
	[sflag:s23] =	ssyncset.done $0x0  }
0x44: {  	[sflag:s23] =	ssyncadd.s32 $0xFFFFE000;
	s21 =	sadd.s32 s2, s29  }
0x45: {  	[hbm4b:s21+s3] =	stream.linear.scatter [tilespmem:s28], [sflag:$0x2], $0x2000, $0x38;
	[tilespmem:$0x12800] =	vst v63  }
0x46: {  	_ =	swait.ge [sflag:s0], $0x2000  }
0x47: {  	[sflag:s0] =	ssyncset.done $0x0  }
0x48: {  	s24 =	simm.s32 $0x480;
	[sflag:s0] =	ssyncadd.s32 $0xFFFFE000  }
0x49: {  	[tilespmem:s18], [sflag:$0x1] =	stream.indirect.gather [hbm4b:s4+s16], $0x40, s24, s16, $0xb8;
	[tilespmem:$0x12800] =	vst v63  }
0x4a: {  	_ =	swait.ge [sflag:s23], $0x2000  }
0x4b: {  	s26 =	rddreg [dreg:$0x5];
	[sflag:s23] =	ssyncset.done $0x0  }
0x4c: {  	[sflag:s23] =	ssyncadd.s32 $0xFFFFE000;
	s21 =	sadd.s32 s2, s26  }
0x4d: {  	[hbm4b:s21+s3] =	stream.linear.scatter [tilespmem:s30], [sflag:$0x2], $0x2000, $0x38;
	[tilespmem:$0x12800] =	vst v63  }
0x4e: {  	_ =	swait.ge [sflag:s0], $0x2000  }
0x4f: {  	[sflag:s0] =	ssyncset.done $0x0  }
0x50: {  	s29 =	simm.s32 $0x500;
	[sflag:s0] =	ssyncadd.s32 $0xFFFFE000  }
0x51: {  	[tilespmem:s20], [sflag:$0x1] =	stream.indirect.gather [hbm4b:s4+s16], $0x40, s29, s16, $0xb8;
	[tilespmem:$0x12800] =	vst v63  }
0x52: {  	_ =	swait.ge [sflag:s23], $0x2000  }
0x53: {  	s24 =	rddreg [dreg:$0x4];
	[sflag:s23] =	ssyncset.done $0x0  }
0x54: {  	[sflag:s23] =	ssyncadd.s32 $0xFFFFE000;
	s21 =	sadd.s32 s2, s24  }
0x55: {  	[hbm4b:s21+s3] =	stream.linear.scatter [tilespmem:s1], [sflag:$0x2], $0x2000, $0x38;
	[tilespmem:$0x12800] =	vst v63  }
0x56: {  	_ =	swait.ge [sflag:s0], $0x2000  }
0x57: {  	[sflag:s0] =	ssyncset.done $0x0  }
0x58: {  	s26 =	simm.s32 $0x580;
	[sflag:s0] =	ssyncadd.s32 $0xFFFFE000  }
0x59: {  	[tilespmem:s22], [sflag:$0x1] =	stream.indirect.gather [hbm4b:s4+s16], $0x40, s26, s16, $0xb8;
	[tilespmem:$0x12800] =	vst v63  }
0x5a: {  	_ =	swait.ge [sflag:s23], $0x2000  }
0x5b: {  	s29 =	rddreg [dreg:$0xb];
	[sflag:s23] =	ssyncset.done $0x0  }
0x5c: {  	[sflag:s23] =	ssyncadd.s32 $0xFFFFE000;
	s21 =	sadd.s32 s2, s29  }
0x5d: {  	[hbm4b:s21+s3] =	stream.linear.scatter [tilespmem:s17], [sflag:$0x2], $0x2000, $0x38;
	[tilespmem:$0x12800] =	vst v63  }
0x5e: {  	_ =	swait.ge [sflag:s0], $0x2000  }
0x5f: {  	[sflag:s0] =	ssyncset.done $0x0  }
0x60: {  	s24 =	simm.s32 $0x600;
	[sflag:s0] =	ssyncadd.s32 $0xFFFFE000  }
0x61: {  	[tilespmem:s25], [sflag:$0x1] =	stream.indirect.gather [hbm4b:s4+s16], $0x40, s24, s16, $0xb8;
	[tilespmem:$0x12800] =	vst v63  }
0x62: {  	_ =	swait.ge [sflag:s23], $0x2000  }
0x63: {  	s26 =	rddreg [dreg:$0xa];
	[sflag:s23] =	ssyncset.done $0x0  }
0x64: {  	[sflag:s23] =	ssyncadd.s32 $0xFFFFE000;
	s21 =	sadd.s32 s2, s26  }
0x65: {  	[hbm4b:s21+s3] =	stream.linear.scatter [tilespmem:s18], [sflag:$0x2], $0x2000, $0x38;
	[tilespmem:$0x12800] =	vst v63  }
0x66: {  	_ =	swait.ge [sflag:s0], $0x2000  }
0x67: {  	[sflag:s0] =	ssyncset.done $0x0  }
0x68: {  	s29 =	simm.s32 $0x680;
	[sflag:s0] =	ssyncadd.s32 $0xFFFFE000  }
0x69: {  	[tilespmem:s28], [sflag:$0x1] =	stream.indirect.gather [hbm4b:s4+s16], $0x40, s29, s16, $0xb8;
	[tilespmem:$0x12800] =	vst v63  }
0x6a: {  	_ =	swait.ge [sflag:s23], $0x2000  }
0x6b: {  	s24 =	rddreg [dreg:$0x9];
	[sflag:s23] =	ssyncset.done $0x0  }
0x6c: {  	[sflag:s23] =	ssyncadd.s32 $0xFFFFE000;
	s21 =	sadd.s32 s2, s24  }
0x6d: {  	[hbm4b:s21+s3] =	stream.linear.scatter [tilespmem:s20], [sflag:$0x2], $0x2000, $0x38;
	[tilespmem:$0x12800] =	vst v63  }
0x6e: {  	_ =	swait.ge [sflag:s0], $0x2000  }
0x6f: {  	[sflag:s0] =	ssyncset.done $0x0  }
0x70: {  	s26 =	simm.s32 $0x700;
	[sflag:s0] =	ssyncadd.s32 $0xFFFFE000  }
0x71: {  	[tilespmem:s30], [sflag:$0x1] =	stream.indirect.gather [hbm4b:s4+s16], $0x40, s26, s16, $0xb8;
	[tilespmem:$0x12800] =	vst v63  }
0x72: {  	_ =	swait.ge [sflag:s23], $0x2000  }
0x73: {  	s29 =	rddreg [dreg:$0x8];
	[sflag:s23] =	ssyncset.done $0x0  }
0x74: {  	[sflag:s23] =	ssyncadd.s32 $0xFFFFE000;
	s21 =	sadd.s32 s2, s29  }
0x75: {  	[hbm4b:s21+s3] =	stream.linear.scatter [tilespmem:s22], [sflag:$0x2], $0x2000, $0x38;
	[tilespmem:$0x12800] =	vst v63  }
0x76: {  	_ =	swait.ge [sflag:s0], $0x2000  }
0x77: {  	s24 =	sadd.s32 $0x2000, s2;
	[sflag:s0] =	ssyncset.done $0x0  }
0x78: {  	s26 =	simm.s32 $0x780;
	s21 =	simm.s32 $0x1000;
	[sflag:s0] =	ssyncadd.s32 $0xFFFFE000  }
.LBB2_2:
0x79: {  	[tilespmem:s1], [sflag:$0x1] =	stream.indirect.gather [hbm4b:s4+s16], $0x40, s26, s16, $0xb8;
	[tilespmem:$0x12800] =	vst v63  }
0x7a: {  	_ =	swait.ge [sflag:s23], $0x2000  }
0x7b: {  	s29 =	rddreg [dreg:$0x7];
	[sflag:s23] =	ssyncset.done $0x0  }
0x7c: {  	[sflag:s23] =	ssyncadd.s32 $0xFFFFE000;
	s29 =	sadd.s32 s24, s29  }
0x7d: {  	[hbm4b:s29+s3] =	stream.linear.scatter [tilespmem:s25], [sflag:$0x2], $0x2000, $0x38;
	[tilespmem:$0x12800] =	vst v63  }
0x7e: {  	s26 =	smov.u32 s21;
	_ =	swait.ge [sflag:s0], $0x2000  }
0x7f: {  	s26 =	sshra.s32 s26, $0x2;
	[sflag:s0] =	ssyncset.done $0x0  }
0x80: {  	s29 =	sadd.s32 $0x400, s26;
	[sflag:s0] =	ssyncadd.s32 $0xFFFFE000  }
0x81: {  	[tilespmem:s17], [sflag:$0x1] =	stream.indirect.gather [hbm4b:s4+s16], $0x40, s29, s16, $0xb8;
	[tilespmem:$0x12800] =	vst v63  }
0x82: {  	_ =	swait.ge [sflag:s23], $0x2000  }
0x83: {  	s29 =	rddreg [dreg:$0x6];
	[sflag:s23] =	ssyncset.done $0x0  }
0x84: {  	[sflag:s23] =	ssyncadd.s32 $0xFFFFE000;
	s29 =	sadd.s32 s24, s29  }
0x85: {  	[hbm4b:s29+s3] =	stream.linear.scatter [tilespmem:s28], [sflag:$0x2], $0x2000, $0x38;
	[tilespmem:$0x12800] =	vst v63  }
0x86: {  	_ =	swait.ge [sflag:s0], $0x2000  }
0x87: {  	[sflag:s0] =	ssyncset.done $0x0  }
0x88: {  	s29 =	sadd.s32 $0x480, s26;
	[sflag:s0] =	ssyncadd.s32 $0xFFFFE000  }
0x89: {  	[tilespmem:s18], [sflag:$0x1] =	stream.indirect.gather [hbm4b:s4+s16], $0x40, s29, s16, $0xb8;
	[tilespmem:$0x12800] =	vst v63  }
0x8a: {  	_ =	swait.ge [sflag:s23], $0x2000  }
0x8b: {  	s29 =	rddreg [dreg:$0x5];
	[sflag:s23] =	ssyncset.done $0x0  }
0x8c: {  	[sflag:s23] =	ssyncadd.s32 $0xFFFFE000;
	s29 =	sadd.s32 s24, s29  }
0x8d: {  	[hbm4b:s29+s3] =	stream.linear.scatter [tilespmem:s30], [sflag:$0x2], $0x2000, $0x38;
	[tilespmem:$0x12800] =	vst v63  }
0x8e: {  	_ =	swait.ge [sflag:s0], $0x2000  }
0x8f: {  	[sflag:s0] =	ssyncset.done $0x0  }
0x90: {  	s29 =	sadd.s32 $0x500, s26;
	[sflag:s0] =	ssyncadd.s32 $0xFFFFE000  }
0x91: {  	[tilespmem:s20], [sflag:$0x1] =	stream.indirect.gather [hbm4b:s4+s16], $0x40, s29, s16, $0xb8;
	[tilespmem:$0x12800] =	vst v63  }
0x92: {  	_ =	swait.ge [sflag:s23], $0x2000  }
0x93: {  	s29 =	rddreg [dreg:$0x4];
	[sflag:s23] =	ssyncset.done $0x0  }
0x94: {  	[sflag:s23] =	ssyncadd.s32 $0xFFFFE000;
	s29 =	sadd.s32 s24, s29  }
0x95: {  	[hbm4b:s29+s3] =	stream.linear.scatter [tilespmem:s1], [sflag:$0x2], $0x2000, $0x38;
	[tilespmem:$0x12800] =	vst v63  }
0x96: {  	_ =	swait.ge [sflag:s0], $0x2000  }
0x97: {  	[sflag:s0] =	ssyncset.done $0x0  }
0x98: {  	s29 =	sadd.s32 $0x580, s26;
	[sflag:s0] =	ssyncadd.s32 $0xFFFFE000  }
0x99: {  	[tilespmem:s22], [sflag:$0x1] =	stream.indirect.gather [hbm4b:s4+s16], $0x40, s29, s16, $0xb8;
	[tilespmem:$0x12800] =	vst v63  }
0x9a: {  	_ =	swait.ge [sflag:s23], $0x2000  }
0x9b: {  	s29 =	rddreg [dreg:$0xb];
	[sflag:s23] =	ssyncset.done $0x0  }
0x9c: {  	[sflag:s23] =	ssyncadd.s32 $0xFFFFE000;
	s29 =	sadd.s32 s24, s29  }
0x9d: {  	[hbm4b:s29+s3] =	stream.linear.scatter [tilespmem:s17], [sflag:$0x2], $0x2000, $0x38;
	[tilespmem:$0x12800] =	vst v63  }
0x9e: {  	_ =	swait.ge [sflag:s0], $0x2000  }
0x9f: {  	[sflag:s0] =	ssyncset.done $0x0  }
0xa0: {  	s29 =	sadd.s32 $0x600, s26;
	[sflag:s0] =	ssyncadd.s32 $0xFFFFE000  }
0xa1: {  	[tilespmem:s25], [sflag:$0x1] =	stream.indirect.gather [hbm4b:s4+s16], $0x40, s29, s16, $0xb8;
	[tilespmem:$0x12800] =	vst v63  }
0xa2: {  	_ =	swait.ge [sflag:s23], $0x2000  }
0xa3: {  	s29 =	rddreg [dreg:$0xa];
	[sflag:s23] =	ssyncset.done $0x0  }
0xa4: {  	[sflag:s23] =	ssyncadd.s32 $0xFFFFE000;
	s29 =	sadd.s32 s24, s29  }
0xa5: {  	[hbm4b:s29+s3] =	stream.linear.scatter [tilespmem:s18], [sflag:$0x2], $0x2000, $0x38;
	[tilespmem:$0x12800] =	vst v63  }
0xa6: {  	_ =	swait.ge [sflag:s0], $0x2000  }
0xa7: {  	[sflag:s0] =	ssyncset.done $0x0  }
0xa8: {  	s29 =	sadd.s32 $0x680, s26;
	[sflag:s0] =	ssyncadd.s32 $0xFFFFE000  }
0xa9: {  	[tilespmem:s28], [sflag:$0x1] =	stream.indirect.gather [hbm4b:s4+s16], $0x40, s29, s16, $0xb8;
	[tilespmem:$0x12800] =	vst v63  }
0xaa: {  	_ =	swait.ge [sflag:s23], $0x2000  }
0xab: {  	s29 =	rddreg [dreg:$0x9];
	[sflag:s23] =	ssyncset.done $0x0  }
0xac: {  	[sflag:s23] =	ssyncadd.s32 $0xFFFFE000;
	s29 =	sadd.s32 s24, s29  }
0xad: {  	[hbm4b:s29+s3] =	stream.linear.scatter [tilespmem:s20], [sflag:$0x2], $0x2000, $0x38;
	[tilespmem:$0x12800] =	vst v63  }
0xae: {  	_ =	swait.ge [sflag:s0], $0x2000  }
0xaf: {  	[sflag:s0] =	ssyncset.done $0x0  }
0xb0: {  	s29 =	sadd.s32 $0x700, s26;
	[sflag:s0] =	ssyncadd.s32 $0xFFFFE000  }
0xb1: {  	[tilespmem:s30], [sflag:$0x1] =	stream.indirect.gather [hbm4b:s4+s16], $0x40, s29, s16, $0xb8;
	[tilespmem:$0x12800] =	vst v63  }
0xb2: {  	_ =	swait.ge [sflag:s23], $0x2000  }
0xb3: {  	p0 =	sne.s32 s21, $0x8000;
	s29 =	rddreg [dreg:$0x8];
	[sflag:s23] =	ssyncset.done $0x0  }
.Ltmp0:
0xb4: {  	[sflag:s23] =	ssyncadd.s32 $0xFFFFE000;
	s29 =	sadd.s32 s24, s29;
	(pc) =	sbr.rel @p0 .LBB2_2-.Ltmp0, $4  }
0xb5: {  	[hbm4b:s29+s3] =	stream.linear.scatter [tilespmem:s22], [sflag:$0x2], $0x2000, $0x38;
	[tilespmem:$0x12800] =	vst v63  }
0xb6: {  	_ =	swait.ge [sflag:s0], $0x2000  }
0xb7: {  	s21 =	sadd.s32 $0x1000, s21;
	[sflag:s0] =	ssyncset.done $0x0  }
0xb8: {  	s26 =	sadd.s32 $0x780, s26;
	s24 =	sadd.s32 $0x2000, s24;
	[sflag:s0] =	ssyncadd.s32 $0xFFFFE000  }
0xb9: {  	[tilespmem:s1], [sflag:$0x1] =	stream.indirect.gather [hbm4b:s4+s16], $0x40, s26, s16, $0xb8;
	[tilespmem:$0x12800] =	vst v63  }
0xba: {  	_ =	swait.ge [sflag:s23], $0x2000  }
0xbb: {  	[sflag:s23] =	ssyncset.done $0x0  }
0xbc: {  	[sflag:s23] =	ssyncadd.s32 $0xFFFFE000  }
0xbd: {  	[hbm4b:s10+s3] =	stream.linear.scatter [tilespmem:s25], [sflag:$0x2], $0x2000, $0x38;
	[tilespmem:$0x12800] =	vst v63  }
0xbe: {  	_ =	swait.ge [sflag:s0], $0x2000  }
0xbf: {  	[sflag:s0] =	ssyncset.done $0x0  }
0xc0: {  	[sflag:s0] =	ssyncadd.s32 $0xFFFFE000  }
0xc1: {  	_ =	swait.ge [sflag:s23], $0x2000  }
0xc2: {  	[sflag:s23] =	ssyncset.done $0x0  }
0xc3: {  	[sflag:s23] =	ssyncadd.s32 $0xFFFFE000  }
0xc4: {  	[hbm4b:s11+s3] =	stream.linear.scatter [tilespmem:s28], [sflag:$0x2], $0x2000, $0x38;
	[tilespmem:$0x12800] =	vst v63  }
0xc5: {  	_ =	swait.ge [sflag:s0], $0x2000  }
0xc6: {  	[sflag:s0] =	ssyncset.done $0x0  }
0xc7: {  	[sflag:s0] =	ssyncadd.s32 $0xFFFFE000  }
0xc8: {  	_ =	swait.ge [sflag:s23], $0x2000  }
0xc9: {  	[sflag:s23] =	ssyncset.done $0x0  }
0xca: {  	[sflag:s23] =	ssyncadd.s32 $0xFFFFE000  }
0xcb: {  	[hbm4b:s12+s3] =	stream.linear.scatter [tilespmem:s30], [sflag:$0x2], $0x2000, $0x38;
	[tilespmem:$0x12800] =	vst v63  }
0xcc: {  	_ =	swait.ge [sflag:s0], $0x2000  }
0xcd: {  	[sflag:s0] =	ssyncset.done $0x0  }
0xce: {  	[sflag:s0] =	ssyncadd.s32 $0xFFFFE000  }
0xcf: {  	_ =	swait.ge [sflag:s23], $0x2000  }
0xd0: {  	[sflag:s23] =	ssyncset.done $0x0  }
0xd1: {  	[sflag:s23] =	ssyncadd.s32 $0xFFFFE000  }
0xd2: {  	[hbm4b:s13+s3] =	stream.linear.scatter [tilespmem:s1], [sflag:$0x2], $0x2000, $0x38;
	[tilespmem:$0x12800] =	vst v63  }
0xd3: {  	_ =	swait.ge [sflag:s0], $0x2000  }
0xd4: {  	[sflag:s0] =	ssyncset.done $0x0  }
0xd5: {  	[sflag:s0] =	ssyncadd.s32 $0xFFFFE000  }
0xd6: {  	_ =	swait.ge [sflag:s0], $0x2000  }
0xd7: {  	[sflag:s0] =	ssyncset.done $0x0  }
0xd8: {  	[sflag:s0] =	ssyncadd.s32 $0xFFFFE000  }
0xd9: {  	_ =	swait.ge [sflag:s0], $0x2000  }
0xda: {  	[sflag:s0] =	ssyncset.done $0x0  }
0xdb: {  	s19 =	sadd.s32 $0x1, s19;
	[sflag:s0] =	ssyncadd.s32 $0xFFFFE000  }
0xdc: {  	p0 =	sne.s32 s19, s14;
	_ =	swait.ge [sflag:s0], $0x2000  }
.Ltmp1:
0xdd: {  	[sflag:s0] =	ssyncset.done $0x0;
	(pc) =	sbr.rel @p0 .LBB2_1-.Ltmp1, $4  }
0xde: {  	[sflag:s0] =	ssyncadd.s32 $0xFFFFE000  }
0xdf: {  	_ =	swait.ge [sflag:s0], $0x2000  }
0xe0: {  	[sflag:s0] =	ssyncset.done $0x0  }
0xe1: {  	[sflag:s0] =	ssyncadd.s32 $0xFFFFE000  }
0xe2: {  	_ =	sfence.sel $0x180000  }
0xe3: {  	[bflag:$0x0] =	sbarrier.arrive $0xFFFF  }
0xe4: {  	_ =	strace $0x90000047  }
0xe5: {  	s0 =	stileid.u32;
	[bflag:$0x2] =	sbarrier.arrive $0xFFFF  }
0xe6: {  	p0 =	sne.s32 s0, $0x0;
	s0 =	rddreg [dreg:$0x3]  }
0xe7: {  	s0 =	sadd.s32 @!p0 $0x100000, s0  }
0xe8: {  	[sflag:s0] =	ssyncadd.tile.s32 @!p0 $0x1;
	_ =	shalt  }
.Lfunc_end2:
_tile_overlayer_lowered:
.L_overlay_start_2:
0xe9: {  	(tag) =	ssettag $0x2  }
0xea: {  	s0 =	rddreg [dreg:$0x0];
	s2 =	stileid.u32  }
0xeb: {  	s1 =	rddreg [dreg:$0x1];
	p0 =	sne.s32 s2, $0x0  }
0xec: {  	s3 =	rddreg [dreg:$0x2];
	[bflag:$0x3] =	sbarrier.arrive $0xFFFF;
	s2 =	simm.s32 @!p0 $0x1C03  }
0xed: {  	[timem:s3], [sflag:s2] =	dma.local @!p0 [hbm:s0], s1  }
0xee: {  	s0 =	simm.s32 @!p0 $0x3  }
0xef: {  	_ =	swait.ge @!p0 [sflag:s0], s1  }
0xf0: {  	s1 =	ssub.s32 @!p0 $0x0, s1;
	[sflag:s0] =	ssyncset.done @!p0 $0x0  }
0xf1: {  	[sflag:s0] =	ssyncadd.s32 @!p0 s1  }
0xf2: {  	[bflag:$0x3] =	sbarrier.arrive $0xFFFF  }
0xf3: {  	_ =	shalt  }

// kernel: sparse-core-data-format-call.cloned.1.call-start
scs
called_computation_lowered:
.L_overlay_start_0:
0x0: {  	s2 =	sld [smem:$0x3FD9]  }
0x1: {  	s3 =	sld [smem:$0x3FFE];
	_ =	sdelay $0x1  }
0x2: {  	s1 =	srdreg.scid  }
0x3: {  	s0 =	sand.u32 $0x1, s1  }
0x4: {  	s18 =	sshll.u32 s0, $0xA;
	s2 =	sadd.s32 s3, s2  }
0x5: {  	s2 =	sadd.s32 s2, s18  }
0x6: {  	[smem:$0x3FC6] =	sst s2  }
0x7: {  	_ = 	snop  }
0x8: {  	s2 =	sld [smem:$0x3FD0];
	(tm) =	ssettm $0x1  }
0x9: {  	s19 =	sld [smem:$0x3FFB];
	_ =	sdelay $0x3  }
0xa: {  	_ =	strace s19  }
0xb: {  	s3 =	sld [smem:$0x3FFC];
	_ =	sdelay $0x3  }
0xc: {  	_ =	strace s3  }
0xd: {  	s3 =	sld [smem:$0x3FFD];
	_ =	sdelay $0x3  }
0xe: {  	_ =	strace s3  }
0xf: {  	_ =	strace $0x8FFFFFFF  }
0x10: {  	s20 =	sld [smem:$0x3FDB];
	_ =	sdelay $0x1  }
0x11: {  	s4 =	simm.s32 $_scs_section_size  }
0x12: {  	s5 =	simm.s32 $_size__tile_overlayer_lowered;
	s6 =	simm.s32 $_tile_overlayer_lowered  }
0x13: {  	s23 =	simm.s32 $0x1BFF;
	s22 =	sshll.u32 s6, $0x1;
	s3 =	sadd.s32 s4, s20  }
0x14: {  	s7 =	simm.s32 $0x0;
	s21 =	sshll.u32 s5, $0x1;
	s5 =	sadd.s32 s22, s3  }
0x15: {  	[timem:s7], [sflag:s23] =	dma.local [hbm:s5], s21  }
0x16: {  	_ =	swait.ge [sflag:s23], s21  }
0x17: {  	s4 =	ssub.s32 $0x0, s21;
	[sflag:s23] =	ssyncset.done $0x0  }
0x18: {  	[sflag:s23] =	ssyncadd.s32 s4;
	_ =	sdelay $0x1  }
0x19: {  	s24 =	simm.s32 $0x1B8B  }
0x1a: {  	_ =	swait.ge [sflag:s24], $0x1  }
0x1b: {  	[sflag:s24] =	ssyncset.done $0x0  }
0x1c: {  	s26 =	simm.s32 $0x1B8E;
	s25 =	sld [smem:$0x3FFE];
	[sflag:s24] =	ssyncadd.s32 $0xFFFFFFFF  }
0x1d: {  	s27 =	simm.s32 $execute0_lowered;
	[smem:$0x3FD2] =	sst s26  }
0x1e: {  	s5 =	sshll.u32 s27, $0x1;
	_ =	strace $0x80000049;
	[dreg:$0x1] =	wrdreg $0xFFFFFFFF  }
0x1f: {  	s28 =	simm.s32 $_size_execute0_lowered;
	s3 =	sadd.s32 s3, s5;
	[dreg:$0x0] =	wrdreg $0x0  }
0x20: {  	s5 =	sshll.u32 s28, $0x1;
	[dreg:$0x2] =	wrdreg s3  }
0x21: {  	[dreg:$0x3] =	wrdreg s5  }
0x22: {  	[dreg:$0x4] =	wrdreg $0xC0  }
0x23: {  	_ =	task [dreg:s7], $0x5FFFF  }
0x24: {  	[dreg:$0x1] =	wrdreg $0xFFFFFFFF  }
0x25: {  	[dreg:$0x0] =	wrdreg $0x60  }
0x26: {  	[dreg:$0x2] =	wrdreg s25  }
0x27: {  	[dreg:$0x3] =	wrdreg s2  }
0x28: {  	[dreg:$0x4] =	wrdreg $0x9  }
0x29: {  	_ =	task.clear_ibuf [dreg:s7], $0x5FFFF;
	_ =	strace $0x90000049  }
0x2a: {  	s29 =	simm.s32 $0x9;
	_ =	strace $0x8000004B  }
0x2b: {  	_ =	swait.ge [sflag:s29], $0x1  }
0x2c: {  	[sflag:s29] =	ssyncadd.s32 $0xFFFFFFFF  }
0x2d: {  	_ =	strace $0x9000004B  }
0x2e: {  	_ =	sfence  }
0x2f: {  	s30 =	sld [smem:$0x0];
	_ =	sdelay $0x2  }
0x30: {  	s31 =	sshll.u32 s1, $0xD;
	s1 =	sshrl.u32 s1, $0x2  }
0x31: {  	s3 =	sand.u32 $0x4000, s31;
	s1 =	sadd.s32 s1, s30  }
0x32: {  	s0 =	sor.u32 s3, s0;
	s1 =	sshll.u32 s1, $0x11  }
0x33: {  	s0 =	sor.u32 s1, s0  }
0x34: {  	s0 =	sadd.s32 $0x8F2B, s0  }
0x35: {  	[sflag:s0] =	ssyncadd.remote.s32 $0x1  }
0x36: {  	_ =	sfence.sel $0xFFFF  }
0x37: {  	[dreg:$0x0] =	wrdreg $0xFFFFFFFF;
	(pc) =	sbr.abs _section_cstart, $3  }
0x38: {  	[dreg:$0x1] =	wrdreg $0xFFFFFFFF  }
0x39: {  	_ =	task.clear_ibuf [dreg:s7], $0x2FFFF;
	_ =	strace $0x9FFFFFFF  }
0x3a: {  	(tm) =	ssettm $0x7FFFFFFF  }
0x3b: {  	_ =	shalt  }
tec
execute0_lowered:
.L_overlay_start_1:
0x0: {  	(tag) =	ssettag $0x1  }
0x1: {  	s0 =	srdreg.scid  }
0x2: {  	s1 =	sshll.u32 s0, $0x4  }
0x3: {  	s4 =	rddreg [dreg:$0x0];
	s0 =	stileid.u32;
	s1 =	sand.u32 $0x10, s1  }
0x4: {  	s2 =	rddreg [dreg:$0x1];
	s7 =	simm.s32 $0x1;
	s1 =	sor.u32 s0, s1  }
0x5: {  	s8 =	simm.s32 $0x2;
	s11 =	simm.s32 $0x0;
	s3 =	sshll.u32 s1, $0x7  }
0x6: {  	s10 =	simm.s32 $0x0;
	s4 =	sadd.s32 $0x800, s4;
	s6 =	ssub.s32 $0x50000, s3  }
.Ltmp0:
0x7: {  	s1 =	rddreg [dreg:$0x2];
	s5 =	sand.u32 $0xF80, s6;
	(pc) =	sbr.rel .LBB1_1-.Ltmp0, $4  }
0x8: {  	_ =	strace $0x8000004A;
	s9 =	smov.u32 s3;
	p0 =	sne.s32 s5, $0x0  }
0x9: {  	s6 =	sshrl.u32 s6, $0xC;
	s5 =	simm.s32 $0x1;
	s7 =	simm.s32 @!p0 $0x0  }
0xa: {  	[sflag:s5] =	ssyncpa.u1 $0x0;
	p0 =	por $0x0, $0x0;
	s6 =	sadd.s32 s7, s6  }
0xb: {  	[sflag:s8] =	ssyncpa.u1 $0x0;
	s8 =	simm.s32 $0x280000;
	s7 =	sadd.s32 $0x1, s6  }
.LBB1_4:
0xc: {  	s14 =	sshll.u32 s11, $0x3  }
0xd: {  	s30 =	sand.u32 $0x7F, s11;
	s15 =	sand.u32 $0xFFFFFC00, s14  }
0xe: {  	s11 =	sor.u32 s30, s15  }
0xf: {  	s15 =	smulhi.u32 $0xCCCCCCCD, s11  }
0x10: {  	s14 =	smulhi.u32 $0xCCCCCCCD, s14  }
0x11: {  	s15 =	sshrl.u32 s15, $0x12  }
0x12: {  	s14 =	sshrl.u32 s14, $0x12;
	s15 =	smul.u32 $0x50000, s15  }
0x13: {  	s14 =	sand.u32 $0x3F, s14  }
0x14: {  	s14 =	smul.u32 $0xA000, s14;
	s11 =	ssub.s32 s11, s15  }
0x15: {  	[tilespmem:s13+$0x810 ss:$0x81] =	vst.msk $0xffff, v2;
	s15 =	sand.u32 $0x7, s11  }
0x16: {  	[tilespmem:s13+$0x1020 ss:$0x81] =	vst.msk $0xffff, v0;
	s14 =	sadd.s32 s2, s14;
	s11 =	sshrl.u32 s11, $0x3;
	s15 =	sshll.u32 s15, $0x12  }
0x17: {  	[tilespmem:s13+$0x0 ss:$0x81] =	vst.msk $0xffff, v1;
	s11 =	sadd.s32 s11, s14;
	s31 =	sor.u32 $0x400, s15  }
0x18: {  	[hbm4b:s11+s31] =	stream.strided.scatter [tilespmem:s12], [sflag:$0x2], $0x2000, s8, s31, $0x20;
	[tilespmem:$0x8080] =	vst v63  }
.LBB1_5:
0x19: {  	s13 =	sadd.s32 $0x1000, s9  }
0x1a: {  	p2 =	sgt.s32 s13, $0x4FFFF  }
0x1b: {  	s13 =	smov.u32 @p2 s3;
	p2 =	sne.s32 s10, s7  }
.Ltmp1:
0x1c: {  	p1 =	slt.u32 s10, $0x2;
	(pc) =	sbr.rel @!p2 .LBB1_6-.Ltmp1, $4  }
0x1d: {  	s12 =	simm.s32 @!p1 $0x2  }
0x1e: {  	s14 =	sadd.s32 $0x1, s10;
	_ =	swait.ge @!p1 [sflag:s12], $0x2000  }
0x1f: {  	s11 =	smov.u32 s9;
	p0 =	por !p0, !p0;
	[sflag:s12] =	ssyncset.done @!p1 $0x0  }
0x20: {  	s10 =	smov.u32 s14;
	s9 =	smov.u32 s13;
	[sflag:s12] =	ssyncadd.s32 @!p1 $0xFFFFE000  }
.LBB1_1:
0x21: {  	p1 =	sge.u32 s10, s6  }
0x22: {  	s12 =	sand.u32 @!p1 $0x1FFFFFF, s9  }
0x23: {  	s13 =	smulhi.u32 @!p1 $0xCCCCCD, s12;
	_ =	sdelay $0x1  }
0x24: {  	s13 =	sshrl.u32 @!p1 s13, $0xA  }
0x25: {  	s13 =	smul.u32 @!p1 $0x50000, s13;
	_ =	sdelay $0x1  }
0x26: {  	s31 =	sadd.s32 $0xFFFFFFFF, s10;
	s14 =	sxor.u32 @!p1 $0xFFFFFFFF, s10;
	s12 =	ssub.s32 @!p1 s12, s13  }
0x27: {  	s15 =	simm.s32 @!p1 $0x80;
	s14 =	sshll.u32 @!p1 s14, $0xD;
	s12 =	sshll.u32 @!p1 s12, $0x4  }
0x28: {  	s13 =	sand.u32 @!p1 $0x2000, s14;
	s14 =	simm.s32 @!p1 $0x40;
	s12 =	sadd.s32 @!p1 s4, s12  }
0x29: {  	[tilespmem:s13], [sflag:$0x1] =	stream.strided.gather @!p1 [hbm4b:s12+s14], $0x2000, s15, s14, $0x38;
	[tilespmem:$0x8080] =	vst v63  }
0x2a: {  	p1 =	sge.u32 s31, s6  }
.Ltmp2:
0x2b: {  	_ = 	snop;
	(pc) =	sbr.rel @p1 .LBB1_5-.Ltmp2, $1  }
0x2c: {  	_ =	sdelay $0x3  }
0x2d: {  	s12 =	simm.s32 $0x1  }
0x2e: {  	_ =	swait.ge [sflag:s5], $0x2000;
	s12 =	simm.s32 @!p0 $0x0  }
0x2f: {  	[sflag:s5] =	ssyncset.done $0x0;
	s13 =	sshll.u32 s12, $0xD  }
0x30: {  	[sflag:s5] =	ssyncadd.s32 $0xFFFFE000;
	s16 =	sor.u32 $0x20, s13  }
0x31: {  	s12 =	smul.u32 $0x8100, s12;
	v3 =	vld [tilespmem:s16+$0x10]  }
0x32: {  	s30 =	sand.u32 $0x1, s10;
	v2 =	vld [tilespmem:s16+$0xFFFFFFF0]  }
0x33: {  	s13 =	smul.u32 $0x8100, s30;
	s12 =	sshrl.u32 s12, $0x2;
	v0 =	vld [tilespmem:s16+$0x0]  }
0x34: {  	v1 =	vld [tilespmem:s16+$0xFFFFFFE0];
	s14 =	sor.u32 $0x4000, s12  }
0x35: {  	s31 =	sshrl.u32 s13, $0x2;
	s13 =	sadd.s32 $0x0, s14  }
0x36: {  	s15 =	simm.s32 $0x4;
	s16 =	sadd.s32 $0x40, s16;
	s12 =	sor.u32 $0x4000, s31;
	[tilespmem:s13+$0x1830 ss:$0x81] =	vst.msk $0xffff, v3  }
.LBB1_3:
0x37: {  	v3 =	vld [tilespmem:s16+$0x10];
	p1 =	sne.s32 s15, $0x1FC;
	[tilespmem:s13+$0x810 ss:$0x81] =	vst.msk $0xffff, v2;
	s17 =	smov.u32 s15;
	s15 =	sadd.s32 $0x4, s15  }
.Ltmp3:
0x38: {  	v2 =	vld [tilespmem:s16+$0xFFFFFFF0];
	[tilespmem:s13+$0x1020 ss:$0x81] =	vst.msk $0xffff, v0;
	(pc) =	sbr.rel @p1 .LBB1_3-.Ltmp3, $4  }
0x39: {  	v0 =	vld [tilespmem:s16+$0x0];
	[tilespmem:s13+$0x0 ss:$0x81] =	vst.msk $0xffff, v1  }
0x3a: {  	s13 =	sshra.s32 s17, $0x2;
	v1 =	vld [tilespmem:s16+$0xFFFFFFE0]  }
0x3b: {  	s13 =	sadd.s32 s13, s14  }
0x3c: {  	s16 =	sadd.s32 $0x40, s16;
	[tilespmem:s13+$0x1830 ss:$0x81] =	vst.msk $0xffff, v3  }
.Ltmp4:
0x3d: {  	_ = 	snop;
	(pc) =	sbr.rel .LBB1_4-.Ltmp4, $1  }
0x3e: {  	_ =	sdelay $0x3  }
.LBB1_6:
0x3f: {  	_ =	sfence.sel $0x180000  }
0x40: {  	s2 =	simm.s32 $0x1;
	[bflag:$0x0] =	sbarrier.arrive $0xFFFF  }
0x41: {  	s31 =	simm.s32 $0x2;
	[sflag:s2] =	ssyncpa.u1 $0x1  }
0x42: {  	[sflag:s31] =	ssyncpa.u1 $0x1  }
0x43: {  	p0 =	sne.s32 s0, $0x0;
	_ =	strace $0x9000004A  }
0x44: {  	s0 =	sadd.s32 @!p0 $0x100000, s1;
	[bflag:$0x2] =	sbarrier.arrive $0xFFFF  }
0x45: {  	[sflag:s0] =	ssyncadd.tile.s32 @!p0 $0x1;
	_ =	shalt  }
.Lfunc_end1:
_tile_overlayer_lowered:
.L_overlay_start_2:
0x46: {  	(tag) =	ssettag $0x2  }
0x47: {  	s0 =	rddreg [dreg:$0x0];
	s2 =	stileid.u32  }
0x48: {  	s1 =	rddreg [dreg:$0x1];
	p0 =	sne.s32 s2, $0x0  }
0x49: {  	s3 =	rddreg [dreg:$0x2];
	[bflag:$0x3] =	sbarrier.arrive $0xFFFF;
	s2 =	simm.s32 @!p0 $0x1C01  }
0x4a: {  	[timem:s3], [sflag:s2] =	dma.local @!p0 [hbm:s0], s1  }
0x4b: {  	s0 =	simm.s32 @!p0 $0x1  }
0x4c: {  	_ =	swait.ge @!p0 [sflag:s0], s1  }
0x4d: {  	s1 =	ssub.s32 @!p0 $0x0, s1;
	[sflag:s0] =	ssyncset.done @!p0 $0x0  }
0x4e: {  	[sflag:s0] =	ssyncadd.s32 @!p0 s1  }
0x4f: {  	[bflag:$0x3] =	sbarrier.arrive $0xFFFF  }
0x50: {  	_ =	shalt  }

</sc_bundles>
